<compile_context>
chip_gen: v7x
topology: tpu7x:2x2x1
jax: 0.10.2.dev20260603
libtpu: 0.0.44.dev20260713+nightly
codegen_flags: <defaults>
</compile_context>

<pallas_src>
import functools

import jax
import jax.numpy as jnp
from jax import lax
from jax.experimental import pallas as pl
from jax.experimental.pallas import tpu as pltpu
from jax.experimental.pallas import tpu_sc as plsc

_N = 256
_CIN = 5
_COUT = 10
_SLAB = (64, 256)

_BLOCKS_IN = _N * _CIN
_BLOCKS_OUT = _N * _COUT
_PAIRS = _BLOCKS_IN // 2

_NC = 2
_NS = 16
_NW = _NC * _NS
_PAIRS_PER_W = _PAIRS // _NW
_STEPS = _PAIRS_PER_W // 2
_NBUF = 2

_mesh = plsc.VectorSubcoreMesh(core_axis_name="c", subcore_axis_name="s")


@functools.partial(
    pl.kernel,
    out_type=jax.ShapeDtypeStruct((_BLOCKS_OUT,) + _SLAB, jnp.float32),
    mesh=_mesh,
    scratch_types=[
        pltpu.VMEM((_NBUF, 2) + _SLAB, jnp.float32),
        pltpu.VMEM_SHARED((_NS, _NBUF, 2) + _SLAB, jnp.float32),
        pltpu.SemaphoreType.DMA((_NBUF,)),
        pltpu.SemaphoreType.DMA((_NBUF,)),
        pltpu.SemaphoreType.DMA((_NBUF,)),
        pltpu.SemaphoreType.DMA((_NBUF,)),
    ],
    compiler_params=pltpu.CompilerParams(use_tc_tiling_on_sc=True),
)
def _dup_slabs(in_hbm, out_hbm, tbuf, shbuf, tin_sem, tout_sem,
               sin_sem, sout_sem):
    wid = lax.axis_index("s") * _NC + lax.axis_index("c")
    base = wid * _PAIRS_PER_W
    sbuf = shbuf.at[lax.axis_index("s")]

    def make_ring(buf, in_sem, out_sem, pair_of):
        def fetch(t, slot):
            pltpu.async_copy(in_hbm.at[pl.ds(2 * pair_of(t), 2)],
                             buf.at[slot], in_sem.at[slot])

        def in_wait(slot):
            pltpu.make_async_copy(in_hbm.at[pl.ds(0, 2)], buf.at[slot],
                                  in_sem.at[slot]).wait()

        def put(t, slot):
            o = 4 * pair_of(t)
            pltpu.async_copy(buf.at[slot, 0], out_hbm.at[o],
                             out_sem.at[slot])
            pltpu.async_copy(buf.at[slot], out_hbm.at[pl.ds(o + 1, 2)],
                             out_sem.at[slot])
            pltpu.async_copy(buf.at[slot, 1], out_hbm.at[o + 3],
                             out_sem.at[slot])

        def out_wait(slot):
            pltpu.make_async_copy(buf.at[slot], out_hbm.at[pl.ds(0, 2)],
                                  out_sem.at[slot]).wait()
            pltpu.make_async_copy(buf.at[slot, 0], out_hbm.at[0],
                                  out_sem.at[slot]).wait()
            pltpu.make_async_copy(buf.at[slot, 1], out_hbm.at[0],
                                  out_sem.at[slot]).wait()

        return fetch, in_wait, put, out_wait

    tfetch, twait, tput, tdrain = make_ring(
        tbuf, tin_sem, tout_sem, lambda t: base + 2 * t)
    sfetch, swait, sput, sdrain = make_ring(
        sbuf, sin_sem, sout_sem, lambda t: base + 2 * t + 1)

    tfetch(0, 0)
    sfetch(0, 0)

    def step(t, _):
        slot = lax.rem(t, _NBUF)
        ahead = t + 1

        @pl.when(ahead < _STEPS)
        def _():
            @pl.when(ahead >= _NBUF)
            def _():
                tdrain(lax.rem(ahead, _NBUF))
                sdrain(lax.rem(ahead, _NBUF))
            tfetch(ahead, lax.rem(ahead, _NBUF))
            sfetch(ahead, lax.rem(ahead, _NBUF))

        twait(slot)
        tput(t, slot)
        swait(slot)
        sput(t, slot)
        return ()

    lax.fori_loop(0, _STEPS, step, ())
    for b in range(_NBUF):
        tdrain(b)
        sdrain(b)


def kernel(body):
    bt = jnp.transpose(body, (0, 3, 2, 1)).reshape((_BLOCKS_IN,) + _SLAB)
    out_t = _dup_slabs(bt)
    out4 = out_t.reshape(_N, _COUT, _SLAB[0], _SLAB[1])
    return jnp.transpose(out4, (0, 3, 2, 1))

# --- scband reference (transcript-rebuilt; emitter-appended) ---
"""Pipeline reference for scband-up-body2-part-627065225269 (READ-ONLY COPY).

The authoritative reference and input builder live on the scoring server;
editing this copy changes nothing except your own understanding.
"""

import jax, jax.numpy as jnp
import numpy as np

# Up_Body2Part: maps 5 body-region channels to 10 part channels.
# Output layout: left_leg=[0,1]<-body0, right_leg=[2,3]<-body1,
# torso=[4,5]<-body2, left_arm=[6,7]<-body3, right_arm=[8,9]<-body4.
# Equivalent to a gather along the last axis with idx = [0,0,1,1,2,2,3,3,4,4].

_PART_IDX = jnp.array([0, 0, 1, 1, 2, 2, 3, 3, 4, 4], dtype=jnp.int32)

def setup_inputs(seed: int = 0) -> dict:
    key = jax.random.key(seed)
    body = jax.random.normal(key, (256, 256, 64, 5), dtype=jnp.float32)
    return {"body": body}

def reference(body):
    # Faithful to torch: new_zeros then overwrite every one of the 10 slots;
    # since all 10 slots are written exactly once, this is a pure gather.
    x = jnp.take(body, _PART_IDX, axis=-1)
    return x

if __name__ == "__main__":
    import jax
    _d = setup_inputs()
    print(jax.jit(kernel)(*tuple(_d.values())))

</pallas_src>

<mosaic_0001>
#map = affine_map<(d0, d1) -> (0, 0, 0)>
module attributes {stable_mosaic.version = 14 : i64} {
  func.func @_dup_slabs(%arg0: i32, %arg1: i32, %arg2: memref<1280x64x256xf32, #tpu.memory_space<hbm>>, %arg3: memref<2560x64x256xf32, #tpu.memory_space<hbm>>, %arg4: memref<2x2x64x256xf32, #tpu.memory_space<vmem>>, %arg5: memref<16x2x2x64x256xf32, #tpu.memory_space<vmem_shared>>, %arg6: memref<2x!tpu.dma_semaphore, #tpu.memory_space<semaphore_mem>>, %arg7: memref<2x!tpu.dma_semaphore, #tpu.memory_space<semaphore_mem>>, %arg8: memref<2x!tpu.dma_semaphore, #tpu.memory_space<semaphore_mem>>, %arg9: memref<2x!tpu.dma_semaphore, #tpu.memory_space<semaphore_mem>>) attributes {dimension_semantics = [#tpu.dimension_semantics<core_parallel>, #tpu.dimension_semantics<subcore_parallel>], iteration_bounds = array<i64: 2, 16>, scalar_prefetch = 0 : i64, scratch_operands = 6 : i64, tpu.core_type = #tpu.core_type<sc_vector_subcore>, window_params = [{transform_indices = #map}, {transform_indices = #map}]} {
    %mul3A = arith.constant 2 : i32
    %mul3A_0 = arith.muli %arg1, %mul3A : i32
    %add3A = arith.addi %mul3A_0, %arg0 : i32
    %mul3A_1 = arith.constant 20 : i32
    %mul3A_2 = arith.muli %add3A, %mul3A_1 : i32
    %add3A_3 = arith.constant 0 : i32
    %add3A_4 = arith.addi %mul3A_2, %add3A_3 : i32
    %mul3A_5 = arith.constant 2 : i32
    %mul3A_6 = arith.muli %mul3A_5, %add3A_4 : i32
    %dma_start3A = arith.constant 0 : i32
    %dma_start3A_7 = arith.constant 0 : i32
    %dma_start3A_8 = arith.constant 0 : i32
    %dma_start3A_9 = arith.constant 0 : i32
    %dma_start3A_10 = arith.constant 0 : i32
    %dma_start3A_11 = tpu.memref_slice %arg4[%dma_start3A, %dma_start3A_8, %dma_start3A_9, %dma_start3A_10] : memref<2x2x64x256xf32, #tpu.memory_space<vmem>> -> memref<1x2x64x256xf32, #tpu.memory_space<vmem>>
    %dma_start3A_12 = tpu.memref_squeeze %dma_start3A_11 : memref<1x2x64x256xf32, #tpu.memory_space<vmem>> -> memref<2x64x256xf32, #tpu.memory_space<vmem>>
    %dma_start3A_13 = arith.constant 0 : i32
    %dma_start3A_14 = arith.constant 0 : i32
    %dma_start3A_15 = tpu.memref_slice %arg2[%mul3A_6, %dma_start3A_13, %dma_start3A_14] : memref<1280x64x256xf32, #tpu.memory_space<hbm>> -> memref<2x64x256xf32, #tpu.memory_space<hbm>>
    %dma_start3A_16 = tpu.memref_slice %arg6[%dma_start3A_7] : memref<2x!tpu.dma_semaphore, #tpu.memory_space<semaphore_mem>> -> memref<1x!tpu.dma_semaphore, #tpu.memory_space<semaphore_mem>>
    %dma_start3A_17 = tpu.memref_squeeze %dma_start3A_16 : memref<1x!tpu.dma_semaphore, #tpu.memory_space<semaphore_mem>> -> memref<!tpu.dma_semaphore, #tpu.memory_space<semaphore_mem>>
    %dma_start3A_18 = arith.constant 0 : i32
    %dma_start3A_19 = arith.constant 0 : i32
    %dma_start3A_20 = arith.constant 0 : i32
    %dma_start3A_21 = tpu.memref_slice %arg4[%dma_start3A, %dma_start3A_18, %dma_start3A_19, %dma_start3A_20] : memref<2x2x64x256xf32, #tpu.memory_space<vmem>> -> memref<1x2x64x256xf32, #tpu.memory_space<vmem>>
    %dma_start3A_22 = tpu.memref_squeeze %dma_start3A_21 : memref<1x2x64x256xf32, #tpu.memory_space<vmem>> -> memref<2x64x256xf32, #tpu.memory_space<vmem>>
    %dma_start3A_23 = arith.constant 0 : i32
    %dma_start3A_24 = arith.constant 0 : i32
    %dma_start3A_25 = tpu.memref_slice %arg2[%mul3A_6, %dma_start3A_23, %dma_start3A_24] : memref<1280x64x256xf32, #tpu.memory_space<hbm>> -> memref<2x64x256xf32, #tpu.memory_space<hbm>>
    tpu.enqueue_dma source(%dma_start3A_25 : memref<2x64x256xf32, #tpu.memory_space<hbm>>) target(%dma_start3A_22 : memref<2x64x256xf32, #tpu.memory_space<vmem>>) target_semaphore(%dma_start3A_17 : memref<!tpu.dma_semaphore, #tpu.memory_space<semaphore_mem>>)
    %add3A_26 = arith.constant 0 : i32
    %add3A_27 = arith.addi %mul3A_2, %add3A_26 : i32
    %add3A_28 = arith.constant 1 : i32
    %add3A_29 = arith.addi %add3A_27, %add3A_28 : i32
    %mul3A_30 = arith.constant 2 : i32
    %mul3A_31 = arith.muli %mul3A_30, %add3A_29 : i32
    %dma_start3A_32 = arith.constant 0 : i32
    %dma_start3A_33 = arith.constant 0 : i32
    %dma_start3A_34 = tpu.memref_slice %arg8[%dma_start3A_33] : memref<2x!tpu.dma_semaphore, #tpu.memory_space<semaphore_mem>> -> memref<1x!tpu.dma_semaphore, #tpu.memory_space<semaphore_mem>>
    %dma_start3A_35 = tpu.memref_squeeze %dma_start3A_34 : memref<1x!tpu.dma_semaphore, #tpu.memory_space<semaphore_mem>> -> memref<!tpu.dma_semaphore, #tpu.memory_space<semaphore_mem>>
    %dma_start3A_36 = arith.constant 0 : i32
    %dma_start3A_37 = arith.constant 0 : i32
    %dma_start3A_38 = arith.constant 0 : i32
    %dma_start3A_39 = arith.constant 0 : i32
    %dma_start3A_40 = tpu.memref_slice %arg5[%arg1, %dma_start3A_36, %dma_start3A_37, %dma_start3A_38, %dma_start3A_39] : memref<16x2x2x64x256xf32, #tpu.memory_space<vmem_shared>> -> memref<1x2x2x64x256xf32, #tpu.memory_space<vmem_shared>>
    %dma_start3A_41 = tpu.memref_squeeze %dma_start3A_40 : memref<1x2x2x64x256xf32, #tpu.memory_space<vmem_shared>> -> memref<2x2x64x256xf32, #tpu.memory_space<vmem_shared>>
    %dma_start3A_42 = arith.constant 0 : i32
    %dma_start3A_43 = arith.constant 0 : i32
    %dma_start3A_44 = arith.constant 0 : i32
    %dma_start3A_45 = tpu.memref_slice %dma_start3A_41[%dma_start3A_32, %dma_start3A_42, %dma_start3A_43, %dma_start3A_44] : memref<2x2x64x256xf32, #tpu.memory_space<vmem_shared>> -> memref<1x2x64x256xf32, #tpu.memory_space<vmem_shared>>
    %dma_start3A_46 = tpu.memref_squeeze %dma_start3A_45 : memref<1x2x64x256xf32, #tpu.memory_space<vmem_shared>> -> memref<2x64x256xf32, #tpu.memory_space<vmem_shared>>
    %dma_start3A_47 = arith.constant 0 : i32
    %dma_start3A_48 = arith.constant 0 : i32
    %dma_start3A_49 = tpu.memref_slice %arg2[%mul3A_31, %dma_start3A_47, %dma_start3A_48] : memref<1280x64x256xf32, #tpu.memory_space<hbm>> -> memref<2x64x256xf32, #tpu.memory_space<hbm>>
    tpu.enqueue_dma source(%dma_start3A_49 : memref<2x64x256xf32, #tpu.memory_space<hbm>>) target(%dma_start3A_46 : memref<2x64x256xf32, #tpu.memory_space<vmem_shared>>) target_semaphore(%dma_start3A_35 : memref<!tpu.dma_semaphore, #tpu.memory_space<semaphore_mem>>)
    %scan3A = arith.constant 0 : i32
    %scan3A_50 = arith.constant 10 : i32
    %scan3A_51 = arith.addi %scan3A, %scan3A_50 : i32
    %scan3A_52 = arith.constant 1 : i32
    scf.for %scan3A_303 = %scan3A to %scan3A_51 step %scan3A_52  : i32 {
      %rem3A = arith.constant 2 : i32
      %rem3A_304 = arith.remsi %scan3A_303, %rem3A : i32
      %add3A_305 = arith.constant 1 : i32
      %add3A_306 = arith.addi %scan3A_303, %add3A_305 : i32
      %lt3A = arith.constant 10 : i32
      %lt3A_307 = arith.cmpi slt, %add3A_306, %lt3A : i32
      %convert_element_type3A = arith.extui %lt3A_307 : i1 to i32
      %cond3A = arith.constant 0 : i32
      %cond3A_308 = arith.cmpi ne, %convert_element_type3A, %cond3A : i32
      scf.if %cond3A_308 {
        %ge3A = arith.constant 2 : i32
        %ge3A_472 = arith.cmpi sge, %add3A_306, %ge3A : i32
        %convert_element_type3A_473 = arith.extui %ge3A_472 : i1 to i32
        %cond3A_474 = arith.constant 0 : i32
        %cond3A_475 = arith.cmpi ne, %convert_element_type3A_473, %cond3A_474 : i32
        scf.if %cond3A_475 {
          %rem3A_526 = arith.constant 2 : i32
          %rem3A_527 = arith.remsi %add3A_306, %rem3A_526 : i32
          %dma_wait3A_528 = arith.constant 0 : i32
          %dma_wait3A_529 = arith.constant 0 : i32
          %dma_wait3A_530 = arith.constant 0 : i32
          %dma_wait3A_531 = tpu.memref_slice %arg4[%rem3A_527, %dma_wait3A_528, %dma_wait3A_529, %dma_wait3A_530] : memref<2x2x64x256xf32, #tpu.memory_space<vmem>> -> memref<1x2x64x256xf32, #tpu.memory_space<vmem>>
          %dma_wait3A_532 = tpu.memref_squeeze %dma_wait3A_531 : memref<1x2x64x256xf32, #tpu.memory_space<vmem>> -> memref<2x64x256xf32, #tpu.memory_space<vmem>>
          %dma_wait3A_533 = arith.constant 0 : i32
          %dma_wait3A_534 = arith.constant 0 : i32
          %dma_wait3A_535 = arith.constant 0 : i32
          %dma_wait3A_536 = tpu.memref_slice %arg3[%dma_wait3A_533, %dma_wait3A_534, %dma_wait3A_535] : memref<2560x64x256xf32, #tpu.memory_space<hbm>> -> memref<2x64x256xf32, #tpu.memory_space<hbm>>
          %dma_wait3A_537 = tpu.memref_slice %arg7[%rem3A_527] : memref<2x!tpu.dma_semaphore, #tpu.memory_space<semaphore_mem>> -> memref<1x!tpu.dma_semaphore, #tpu.memory_space<semaphore_mem>>
          %dma_wait3A_538 = tpu.memref_squeeze %dma_wait3A_537 : memref<1x!tpu.dma_semaphore, #tpu.memory_space<semaphore_mem>> -> memref<!tpu.dma_semaphore, #tpu.memory_space<semaphore_mem>>
          %dma_wait3A_539 = arith.constant 0 : i32
          %dma_wait3A_540 = arith.constant 0 : i32
          %dma_wait3A_541 = arith.constant 0 : i32
          %dma_wait3A_542 = tpu.memref_slice %arg3[%dma_wait3A_539, %dma_wait3A_540, %dma_wait3A_541] : memref<2560x64x256xf32, #tpu.memory_space<hbm>> -> memref<2x64x256xf32, #tpu.memory_space<hbm>>
          %dma_wait3A_543 = arith.constant 0 : i32
          %dma_wait3A_544 = arith.constant 0 : i32
          %dma_wait3A_545 = arith.constant 0 : i32
          %dma_wait3A_546 = tpu.memref_slice %arg4[%rem3A_527, %dma_wait3A_543, %dma_wait3A_544, %dma_wait3A_545] : memref<2x2x64x256xf32, #tpu.memory_space<vmem>> -> memref<1x2x64x256xf32, #tpu.memory_space<vmem>>
          %dma_wait3A_547 = tpu.memref_squeeze %dma_wait3A_546 : memref<1x2x64x256xf32, #tpu.memory_space<vmem>> -> memref<2x64x256xf32, #tpu.memory_space<vmem>>
          tpu.wait_dma2 semaphore(%dma_wait3A_538 : memref<!tpu.dma_semaphore, #tpu.memory_space<semaphore_mem>>) src(%dma_wait3A_547 : memref<2x64x256xf32, #tpu.memory_space<vmem>>) dst(%dma_wait3A_542 : memref<2x64x256xf32, #tpu.memory_space<hbm>>)
          %dma_wait3A_548 = arith.constant 0 : i32
          %dma_wait3A_549 = arith.constant 0 : i32
          %dma_wait3A_550 = arith.constant 0 : i32
          %dma_wait3A_551 = arith.constant 0 : i32
          %dma_wait3A_552 = tpu.memref_slice %arg4[%rem3A_527, %dma_wait3A_548, %dma_wait3A_550, %dma_wait3A_551] : memref<2x2x64x256xf32, #tpu.memory_space<vmem>> -> memref<1x1x64x256xf32, #tpu.memory_space<vmem>>
          %dma_wait3A_553 = tpu.memref_squeeze %dma_wait3A_552 : memref<1x1x64x256xf32, #tpu.memory_space<vmem>> -> memref<64x256xf32, #tpu.memory_space<vmem>>
          %dma_wait3A_554 = arith.constant 0 : i32
          %dma_wait3A_555 = arith.constant 0 : i32
          %dma_wait3A_556 = tpu.memref_slice %arg3[%dma_wait3A_549, %dma_wait3A_554, %dma_wait3A_555] : memref<2560x64x256xf32, #tpu.memory_space<hbm>> -> memref<1x64x256xf32, #tpu.memory_space<hbm>>
          %dma_wait3A_557 = tpu.memref_squeeze %dma_wait3A_556 : memref<1x64x256xf32, #tpu.memory_space<hbm>> -> memref<64x256xf32, #tpu.memory_space<hbm>>
          %dma_wait3A_558 = tpu.memref_slice %arg7[%rem3A_527] : memref<2x!tpu.dma_semaphore, #tpu.memory_space<semaphore_mem>> -> memref<1x!tpu.dma_semaphore, #tpu.memory_space<semaphore_mem>>
          %dma_wait3A_559 = tpu.memref_squeeze %dma_wait3A_558 : memref<1x!tpu.dma_semaphore, #tpu.memory_space<semaphore_mem>> -> memref<!tpu.dma_semaphore, #tpu.memory_space<semaphore_mem>>
          %dma_wait3A_560 = arith.constant 0 : i32
          %dma_wait3A_561 = arith.constant 0 : i32
          %dma_wait3A_562 = tpu.memref_slice %arg3[%dma_wait3A_549, %dma_wait3A_560, %dma_wait3A_561] : memref<2560x64x256xf32, #tpu.memory_space<hbm>> -> memref<1x64x256xf32, #tpu.memory_space<hbm>>
          %dma_wait3A_563 = tpu.memref_squeeze %dma_wait3A_562 : memref<1x64x256xf32, #tpu.memory_space<hbm>> -> memref<64x256xf32, #tpu.memory_space<hbm>>
          %dma_wait3A_564 = arith.constant 0 : i32
          %dma_wait3A_565 = arith.constant 0 : i32
          %dma_wait3A_566 = tpu.memref_slice %arg4[%rem3A_527, %dma_wait3A_548, %dma_wait3A_564, %dma_wait3A_565] : memref<2x2x64x256xf32, #tpu.memory_space<vmem>> -> memref<1x1x64x256xf32, #tpu.memory_space<vmem>>
          %dma_wait3A_567 = tpu.memref_squeeze %dma_wait3A_566 : memref<1x1x64x256xf32, #tpu.memory_space<vmem>> -> memref<64x256xf32, #tpu.memory_space<vmem>>
          tpu.wait_dma2 semaphore(%dma_wait3A_559 : memref<!tpu.dma_semaphore, #tpu.memory_space<semaphore_mem>>) src(%dma_wait3A_567 : memref<64x256xf32, #tpu.memory_space<vmem>>) dst(%dma_wait3A_563 : memref<64x256xf32, #tpu.memory_space<hbm>>)
          %dma_wait3A_568 = arith.constant 1 : i32
          %dma_wait3A_569 = arith.constant 0 : i32
          %dma_wait3A_570 = arith.constant 0 : i32
          %dma_wait3A_571 = arith.constant 0 : i32
          %dma_wait3A_572 = tpu.memref_slice %arg4[%rem3A_527, %dma_wait3A_568, %dma_wait3A_570, %dma_wait3A_571] : memref<2x2x64x256xf32, #tpu.memory_space<vmem>> -> memref<1x1x64x256xf32, #tpu.memory_space<vmem>>
          %dma_wait3A_573 = tpu.memref_squeeze %dma_wait3A_572 : memref<1x1x64x256xf32, #tpu.memory_space<vmem>> -> memref<64x256xf32, #tpu.memory_space<vmem>>
          %dma_wait3A_574 = arith.constant 0 : i32
          %dma_wait3A_575 = arith.constant 0 : i32
          %dma_wait3A_576 = tpu.memref_slice %arg3[%dma_wait3A_569, %dma_wait3A_574, %dma_wait3A_575] : memref<2560x64x256xf32, #tpu.memory_space<hbm>> -> memref<1x64x256xf32, #tpu.memory_space<hbm>>
          %dma_wait3A_577 = tpu.memref_squeeze %dma_wait3A_576 : memref<1x64x256xf32, #tpu.memory_space<hbm>> -> memref<64x256xf32, #tpu.memory_space<hbm>>
          %dma_wait3A_578 = tpu.memref_slice %arg7[%rem3A_527] : memref<2x!tpu.dma_semaphore, #tpu.memory_space<semaphore_mem>> -> memref<1x!tpu.dma_semaphore, #tpu.memory_space<semaphore_mem>>
          %dma_wait3A_579 = tpu.memref_squeeze %dma_wait3A_578 : memref<1x!tpu.dma_semaphore, #tpu.memory_space<semaphore_mem>> -> memref<!tpu.dma_semaphore, #tpu.memory_space<semaphore_mem>>
          %dma_wait3A_580 = arith.constant 0 : i32
          %dma_wait3A_581 = arith.constant 0 : i32
          %dma_wait3A_582 = tpu.memref_slice %arg3[%dma_wait3A_569, %dma_wait3A_580, %dma_wait3A_581] : memref<2560x64x256xf32, #tpu.memory_space<hbm>> -> memref<1x64x256xf32, #tpu.memory_space<hbm>>
          %dma_wait3A_583 = tpu.memref_squeeze %dma_wait3A_582 : memref<1x64x256xf32, #tpu.memory_space<hbm>> -> memref<64x256xf32, #tpu.memory_space<hbm>>
          %dma_wait3A_584 = arith.constant 0 : i32
          %dma_wait3A_585 = arith.constant 0 : i32
          %dma_wait3A_586 = tpu.memref_slice %arg4[%rem3A_527, %dma_wait3A_568, %dma_wait3A_584, %dma_wait3A_585] : memref<2x2x64x256xf32, #tpu.memory_space<vmem>> -> memref<1x1x64x256xf32, #tpu.memory_space<vmem>>
          %dma_wait3A_587 = tpu.memref_squeeze %dma_wait3A_586 : memref<1x1x64x256xf32, #tpu.memory_space<vmem>> -> memref<64x256xf32, #tpu.memory_space<vmem>>
          tpu.wait_dma2 semaphore(%dma_wait3A_579 : memref<!tpu.dma_semaphore, #tpu.memory_space<semaphore_mem>>) src(%dma_wait3A_587 : memref<64x256xf32, #tpu.memory_space<vmem>>) dst(%dma_wait3A_583 : memref<64x256xf32, #tpu.memory_space<hbm>>)
          %rem3A_588 = arith.constant 2 : i32
          %rem3A_589 = arith.remsi %add3A_306, %rem3A_588 : i32
          %dma_wait3A_590 = tpu.memref_slice %arg9[%rem3A_589] : memref<2x!tpu.dma_semaphore, #tpu.memory_space<semaphore_mem>> -> memref<1x!tpu.dma_semaphore, #tpu.memory_space<semaphore_mem>>
          %dma_wait3A_591 = tpu.memref_squeeze %dma_wait3A_590 : memref<1x!tpu.dma_semaphore, #tpu.memory_space<semaphore_mem>> -> memref<!tpu.dma_semaphore, #tpu.memory_space<semaphore_mem>>
          %dma_wait3A_592 = arith.constant 0 : i32
          %dma_wait3A_593 = arith.constant 0 : i32
          %dma_wait3A_594 = arith.constant 0 : i32
          %dma_wait3A_595 = tpu.memref_slice %arg3[%dma_wait3A_592, %dma_wait3A_593, %dma_wait3A_594] : memref<2560x64x256xf32, #tpu.memory_space<hbm>> -> memref<2x64x256xf32, #tpu.memory_space<hbm>>
          %dma_wait3A_596 = arith.constant 0 : i32
          %dma_wait3A_597 = arith.constant 0 : i32
          %dma_wait3A_598 = arith.constant 0 : i32
          %dma_wait3A_599 = arith.constant 0 : i32
          %dma_wait3A_600 = tpu.memref_slice %arg5[%arg1, %dma_wait3A_596, %dma_wait3A_597, %dma_wait3A_598, %dma_wait3A_599] : memref<16x2x2x64x256xf32, #tpu.memory_space<vmem_shared>> -> memref<1x2x2x64x256xf32, #tpu.memory_space<vmem_shared>>
          %dma_wait3A_601 = tpu.memref_squeeze %dma_wait3A_600 : memref<1x2x2x64x256xf32, #tpu.memory_space<vmem_shared>> -> memref<2x2x64x256xf32, #tpu.memory_space<vmem_shared>>
          %dma_wait3A_602 = arith.constant 0 : i32
          %dma_wait3A_603 = arith.constant 0 : i32
          %dma_wait3A_604 = arith.constant 0 : i32
          %dma_wait3A_605 = tpu.memref_slice %dma_wait3A_601[%rem3A_589, %dma_wait3A_602, %dma_wait3A_603, %dma_wait3A_604] : memref<2x2x64x256xf32, #tpu.memory_space<vmem_shared>> -> memref<1x2x64x256xf32, #tpu.memory_space<vmem_shared>>
          %dma_wait3A_606 = tpu.memref_squeeze %dma_wait3A_605 : memref<1x2x64x256xf32, #tpu.memory_space<vmem_shared>> -> memref<2x64x256xf32, #tpu.memory_space<vmem_shared>>
          tpu.wait_dma2 semaphore(%dma_wait3A_591 : memref<!tpu.dma_semaphore, #tpu.memory_space<semaphore_mem>>) src(%dma_wait3A_606 : memref<2x64x256xf32, #tpu.memory_space<vmem_shared>>) dst(%dma_wait3A_595 : memref<2x64x256xf32, #tpu.memory_space<hbm>>)
          %dma_wait3A_607 = arith.constant 0 : i32
          %dma_wait3A_608 = arith.constant 0 : i32
          %dma_wait3A_609 = tpu.memref_slice %arg9[%rem3A_589] : memref<2x!tpu.dma_semaphore, #tpu.memory_space<semaphore_mem>> -> memref<1x!tpu.dma_semaphore, #tpu.memory_space<semaphore_mem>>
          %dma_wait3A_610 = tpu.memref_squeeze %dma_wait3A_609 : memref<1x!tpu.dma_semaphore, #tpu.memory_space<semaphore_mem>> -> memref<!tpu.dma_semaphore, #tpu.memory_space<semaphore_mem>>
          %dma_wait3A_611 = arith.constant 0 : i32
          %dma_wait3A_612 = arith.constant 0 : i32
          %dma_wait3A_613 = tpu.memref_slice %arg3[%dma_wait3A_608, %dma_wait3A_611, %dma_wait3A_612] : memref<2560x64x256xf32, #tpu.memory_space<hbm>> -> memref<1x64x256xf32, #tpu.memory_space<hbm>>
          %dma_wait3A_614 = tpu.memref_squeeze %dma_wait3A_613 : memref<1x64x256xf32, #tpu.memory_space<hbm>> -> memref<64x256xf32, #tpu.memory_space<hbm>>
          %dma_wait3A_615 = arith.constant 0 : i32
          %dma_wait3A_616 = arith.constant 0 : i32
          %dma_wait3A_617 = arith.constant 0 : i32
          %dma_wait3A_618 = arith.constant 0 : i32
          %dma_wait3A_619 = tpu.memref_slice %arg5[%arg1, %dma_wait3A_615, %dma_wait3A_616, %dma_wait3A_617, %dma_wait3A_618] : memref<16x2x2x64x256xf32, #tpu.memory_space<vmem_shared>> -> memref<1x2x2x64x256xf32, #tpu.memory_space<vmem_shared>>
          %dma_wait3A_620 = tpu.memref_squeeze %dma_wait3A_619 : memref<1x2x2x64x256xf32, #tpu.memory_space<vmem_shared>> -> memref<2x2x64x256xf32, #tpu.memory_space<vmem_shared>>
          %dma_wait3A_621 = arith.constant 0 : i32
          %dma_wait3A_622 = arith.constant 0 : i32
          %dma_wait3A_623 = tpu.memref_slice %dma_wait3A_620[%rem3A_589, %dma_wait3A_607, %dma_wait3A_621, %dma_wait3A_622] : memref<2x2x64x256xf32, #tpu.memory_space<vmem_shared>> -> memref<1x1x64x256xf32, #tpu.memory_space<vmem_shared>>
          %dma_wait3A_624 = tpu.memref_squeeze %dma_wait3A_623 : memref<1x1x64x256xf32, #tpu.memory_space<vmem_shared>> -> memref<64x256xf32, #tpu.memory_space<vmem_shared>>
          tpu.wait_dma2 semaphore(%dma_wait3A_610 : memref<!tpu.dma_semaphore, #tpu.memory_space<semaphore_mem>>) src(%dma_wait3A_624 : memref<64x256xf32, #tpu.memory_space<vmem_shared>>) dst(%dma_wait3A_614 : memref<64x256xf32, #tpu.memory_space<hbm>>)
          %dma_wait3A_625 = arith.constant 1 : i32
          %dma_wait3A_626 = arith.constant 0 : i32
          %dma_wait3A_627 = tpu.memref_slice %arg9[%rem3A_589] : memref<2x!tpu.dma_semaphore, #tpu.memory_space<semaphore_mem>> -> memref<1x!tpu.dma_semaphore, #tpu.memory_space<semaphore_mem>>
          %dma_wait3A_628 = tpu.memref_squeeze %dma_wait3A_627 : memref<1x!tpu.dma_semaphore, #tpu.memory_space<semaphore_mem>> -> memref<!tpu.dma_semaphore, #tpu.memory_space<semaphore_mem>>
          %dma_wait3A_629 = arith.constant 0 : i32
          %dma_wait3A_630 = arith.constant 0 : i32
          %dma_wait3A_631 = tpu.memref_slice %arg3[%dma_wait3A_626, %dma_wait3A_629, %dma_wait3A_630] : memref<2560x64x256xf32, #tpu.memory_space<hbm>> -> memref<1x64x256xf32, #tpu.memory_space<hbm>>
          %dma_wait3A_632 = tpu.memref_squeeze %dma_wait3A_631 : memref<1x64x256xf32, #tpu.memory_space<hbm>> -> memref<64x256xf32, #tpu.memory_space<hbm>>
          %dma_wait3A_633 = arith.constant 0 : i32
          %dma_wait3A_634 = arith.constant 0 : i32
          %dma_wait3A_635 = arith.constant 0 : i32
          %dma_wait3A_636 = arith.constant 0 : i32
          %dma_wait3A_637 = tpu.memref_slice %arg5[%arg1, %dma_wait3A_633, %dma_wait3A_634, %dma_wait3A_635, %dma_wait3A_636] : memref<16x2x2x64x256xf32, #tpu.memory_space<vmem_shared>> -> memref<1x2x2x64x256xf32, #tpu.memory_space<vmem_shared>>
          %dma_wait3A_638 = tpu.memref_squeeze %dma_wait3A_637 : memref<1x2x2x64x256xf32, #tpu.memory_space<vmem_shared>> -> memref<2x2x64x256xf32, #tpu.memory_space<vmem_shared>>
          %dma_wait3A_639 = arith.constant 0 : i32
          %dma_wait3A_640 = arith.constant 0 : i32
          %dma_wait3A_641 = tpu.memref_slice %dma_wait3A_638[%rem3A_589, %dma_wait3A_625, %dma_wait3A_639, %dma_wait3A_640] : memref<2x2x64x256xf32, #tpu.memory_space<vmem_shared>> -> memref<1x1x64x256xf32, #tpu.memory_space<vmem_shared>>
          %dma_wait3A_642 = tpu.memref_squeeze %dma_wait3A_641 : memref<1x1x64x256xf32, #tpu.memory_space<vmem_shared>> -> memref<64x256xf32, #tpu.memory_space<vmem_shared>>
          tpu.wait_dma2 semaphore(%dma_wait3A_628 : memref<!tpu.dma_semaphore, #tpu.memory_space<semaphore_mem>>) src(%dma_wait3A_642 : memref<64x256xf32, #tpu.memory_space<vmem_shared>>) dst(%dma_wait3A_632 : memref<64x256xf32, #tpu.memory_space<hbm>>)
        } else {
        }
        %rem3A_476 = arith.constant 2 : i32
        %rem3A_477 = arith.remsi %add3A_306, %rem3A_476 : i32
        %mul3A_478 = arith.constant 2 : i32
        %mul3A_479 = arith.muli %mul3A_478, %add3A_306 : i32
        %add3A_480 = arith.addi %mul3A_2, %mul3A_479 : i32
        %mul3A_481 = arith.constant 2 : i32
        %mul3A_482 = arith.muli %mul3A_481, %add3A_480 : i32
        %dma_start3A_483 = arith.constant 0 : i32
        %dma_start3A_484 = arith.constant 0 : i32
        %dma_start3A_485 = arith.constant 0 : i32
        %dma_start3A_486 = tpu.memref_slice %arg4[%rem3A_477, %dma_start3A_483, %dma_start3A_484, %dma_start3A_485] : memref<2x2x64x256xf32, #tpu.memory_space<vmem>> -> memref<1x2x64x256xf32, #tpu.memory_space<vmem>>
        %dma_start3A_487 = tpu.memref_squeeze %dma_start3A_486 : memref<1x2x64x256xf32, #tpu.memory_space<vmem>> -> memref<2x64x256xf32, #tpu.memory_space<vmem>>
        %dma_start3A_488 = arith.constant 0 : i32
        %dma_start3A_489 = arith.constant 0 : i32
        %dma_start3A_490 = tpu.memref_slice %arg2[%mul3A_482, %dma_start3A_488, %dma_start3A_489] : memref<1280x64x256xf32, #tpu.memory_space<hbm>> -> memref<2x64x256xf32, #tpu.memory_space<hbm>>
        %dma_start3A_491 = tpu.memref_slice %arg6[%rem3A_477] : memref<2x!tpu.dma_semaphore, #tpu.memory_space<semaphore_mem>> -> memref<1x!tpu.dma_semaphore, #tpu.memory_space<semaphore_mem>>
        %dma_start3A_492 = tpu.memref_squeeze %dma_start3A_491 : memref<1x!tpu.dma_semaphore, #tpu.memory_space<semaphore_mem>> -> memref<!tpu.dma_semaphore, #tpu.memory_space<semaphore_mem>>
        %dma_start3A_493 = arith.constant 0 : i32
        %dma_start3A_494 = arith.constant 0 : i32
        %dma_start3A_495 = arith.constant 0 : i32
        %dma_start3A_496 = tpu.memref_slice %arg4[%rem3A_477, %dma_start3A_493, %dma_start3A_494, %dma_start3A_495] : memref<2x2x64x256xf32, #tpu.memory_space<vmem>> -> memref<1x2x64x256xf32, #tpu.memory_space<vmem>>
        %dma_start3A_497 = tpu.memref_squeeze %dma_start3A_496 : memref<1x2x64x256xf32, #tpu.memory_space<vmem>> -> memref<2x64x256xf32, #tpu.memory_space<vmem>>
        %dma_start3A_498 = arith.constant 0 : i32
        %dma_start3A_499 = arith.constant 0 : i32
        %dma_start3A_500 = tpu.memref_slice %arg2[%mul3A_482, %dma_start3A_498, %dma_start3A_499] : memref<1280x64x256xf32, #tpu.memory_space<hbm>> -> memref<2x64x256xf32, #tpu.memory_space<hbm>>
        tpu.enqueue_dma source(%dma_start3A_500 : memref<2x64x256xf32, #tpu.memory_space<hbm>>) target(%dma_start3A_497 : memref<2x64x256xf32, #tpu.memory_space<vmem>>) target_semaphore(%dma_start3A_492 : memref<!tpu.dma_semaphore, #tpu.memory_space<semaphore_mem>>)
        %rem3A_501 = arith.constant 2 : i32
        %rem3A_502 = arith.remsi %add3A_306, %rem3A_501 : i32
        %mul3A_503 = arith.constant 2 : i32
        %mul3A_504 = arith.muli %mul3A_503, %add3A_306 : i32
        %add3A_505 = arith.addi %mul3A_2, %mul3A_504 : i32
        %add3A_506 = arith.constant 1 : i32
        %add3A_507 = arith.addi %add3A_505, %add3A_506 : i32
        %mul3A_508 = arith.constant 2 : i32
        %mul3A_509 = arith.muli %mul3A_508, %add3A_507 : i32
        %dma_start3A_510 = tpu.memref_slice %arg8[%rem3A_502] : memref<2x!tpu.dma_semaphore, #tpu.memory_space<semaphore_mem>> -> memref<1x!tpu.dma_semaphore, #tpu.memory_space<semaphore_mem>>
        %dma_start3A_511 = tpu.memref_squeeze %dma_start3A_510 : memref<1x!tpu.dma_semaphore, #tpu.memory_space<semaphore_mem>> -> memref<!tpu.dma_semaphore, #tpu.memory_space<semaphore_mem>>
        %dma_start3A_512 = arith.constant 0 : i32
        %dma_start3A_513 = arith.constant 0 : i32
        %dma_start3A_514 = arith.constant 0 : i32
        %dma_start3A_515 = arith.constant 0 : i32
        %dma_start3A_516 = tpu.memref_slice %arg5[%arg1, %dma_start3A_512, %dma_start3A_513, %dma_start3A_514, %dma_start3A_515] : memref<16x2x2x64x256xf32, #tpu.memory_space<vmem_shared>> -> memref<1x2x2x64x256xf32, #tpu.memory_space<vmem_shared>>
        %dma_start3A_517 = tpu.memref_squeeze %dma_start3A_516 : memref<1x2x2x64x256xf32, #tpu.memory_space<vmem_shared>> -> memref<2x2x64x256xf32, #tpu.memory_space<vmem_shared>>
        %dma_start3A_518 = arith.constant 0 : i32
        %dma_start3A_519 = arith.constant 0 : i32
        %dma_start3A_520 = arith.constant 0 : i32
        %dma_start3A_521 = tpu.memref_slice %dma_start3A_517[%rem3A_502, %dma_start3A_518, %dma_start3A_519, %dma_start3A_520] : memref<2x2x64x256xf32, #tpu.memory_space<vmem_shared>> -> memref<1x2x64x256xf32, #tpu.memory_space<vmem_shared>>
        %dma_start3A_522 = tpu.memref_squeeze %dma_start3A_521 : memref<1x2x64x256xf32, #tpu.memory_space<vmem_shared>> -> memref<2x64x256xf32, #tpu.memory_space<vmem_shared>>
        %dma_start3A_523 = arith.constant 0 : i32
        %dma_start3A_524 = arith.constant 0 : i32
        %dma_start3A_525 = tpu.memref_slice %arg2[%mul3A_509, %dma_start3A_523, %dma_start3A_524] : memref<1280x64x256xf32, #tpu.memory_space<hbm>> -> memref<2x64x256xf32, #tpu.memory_space<hbm>>
        tpu.enqueue_dma source(%dma_start3A_525 : memref<2x64x256xf32, #tpu.memory_space<hbm>>) target(%dma_start3A_522 : memref<2x64x256xf32, #tpu.memory_space<vmem_shared>>) target_semaphore(%dma_start3A_511 : memref<!tpu.dma_semaphore, #tpu.memory_space<semaphore_mem>>)
      } else {
      }
      %dma_wait3A_309 = arith.constant 0 : i32
      %dma_wait3A_310 = arith.constant 0 : i32
      %dma_wait3A_311 = arith.constant 0 : i32
      %dma_wait3A_312 = tpu.memref_slice %arg4[%rem3A_304, %dma_wait3A_309, %dma_wait3A_310, %dma_wait3A_311] : memref<2x2x64x256xf32, #tpu.memory_space<vmem>> -> memref<1x2x64x256xf32, #tpu.memory_space<vmem>>
      %dma_wait3A_313 = tpu.memref_squeeze %dma_wait3A_312 : memref<1x2x64x256xf32, #tpu.memory_space<vmem>> -> memref<2x64x256xf32, #tpu.memory_space<vmem>>
      %dma_wait3A_314 = arith.constant 0 : i32
      %dma_wait3A_315 = arith.constant 0 : i32
      %dma_wait3A_316 = arith.constant 0 : i32
      %dma_wait3A_317 = tpu.memref_slice %arg2[%dma_wait3A_314, %dma_wait3A_315, %dma_wait3A_316] : memref<1280x64x256xf32, #tpu.memory_space<hbm>> -> memref<2x64x256xf32, #tpu.memory_space<hbm>>
      %dma_wait3A_318 = tpu.memref_slice %arg6[%rem3A_304] : memref<2x!tpu.dma_semaphore, #tpu.memory_space<semaphore_mem>> -> memref<1x!tpu.dma_semaphore, #tpu.memory_space<semaphore_mem>>
      %dma_wait3A_319 = tpu.memref_squeeze %dma_wait3A_318 : memref<1x!tpu.dma_semaphore, #tpu.memory_space<semaphore_mem>> -> memref<!tpu.dma_semaphore, #tpu.memory_space<semaphore_mem>>
      %dma_wait3A_320 = arith.constant 0 : i32
      %dma_wait3A_321 = arith.constant 0 : i32
      %dma_wait3A_322 = arith.constant 0 : i32
      %dma_wait3A_323 = tpu.memref_slice %arg4[%rem3A_304, %dma_wait3A_320, %dma_wait3A_321, %dma_wait3A_322] : memref<2x2x64x256xf32, #tpu.memory_space<vmem>> -> memref<1x2x64x256xf32, #tpu.memory_space<vmem>>
      %dma_wait3A_324 = tpu.memref_squeeze %dma_wait3A_323 : memref<1x2x64x256xf32, #tpu.memory_space<vmem>> -> memref<2x64x256xf32, #tpu.memory_space<vmem>>
      %dma_wait3A_325 = arith.constant 0 : i32
      %dma_wait3A_326 = arith.constant 0 : i32
      %dma_wait3A_327 = arith.constant 0 : i32
      %dma_wait3A_328 = tpu.memref_slice %arg2[%dma_wait3A_325, %dma_wait3A_326, %dma_wait3A_327] : memref<1280x64x256xf32, #tpu.memory_space<hbm>> -> memref<2x64x256xf32, #tpu.memory_space<hbm>>
      tpu.wait_dma2 semaphore(%dma_wait3A_319 : memref<!tpu.dma_semaphore, #tpu.memory_space<semaphore_mem>>) src(%dma_wait3A_328 : memref<2x64x256xf32, #tpu.memory_space<hbm>>) dst(%dma_wait3A_324 : memref<2x64x256xf32, #tpu.memory_space<vmem>>)
      %mul3A_329 = arith.constant 2 : i32
      %mul3A_330 = arith.muli %mul3A_329, %scan3A_303 : i32
      %add3A_331 = arith.addi %mul3A_2, %mul3A_330 : i32
      %mul3A_332 = arith.constant 4 : i32
      %mul3A_333 = arith.muli %mul3A_332, %add3A_331 : i32
      %dma_start3A_334 = arith.constant 0 : i32
      %dma_start3A_335 = arith.constant 0 : i32
      %dma_start3A_336 = arith.constant 0 : i32
      %dma_start3A_337 = tpu.memref_slice %arg4[%rem3A_304, %dma_start3A_334, %dma_start3A_335, %dma_start3A_336] : memref<2x2x64x256xf32, #tpu.memory_space<vmem>> -> memref<1x1x64x256xf32, #tpu.memory_space<vmem>>
      %dma_start3A_338 = tpu.memref_squeeze %dma_start3A_337 : memref<1x1x64x256xf32, #tpu.memory_space<vmem>> -> memref<64x256xf32, #tpu.memory_space<vmem>>
      %dma_start3A_339 = arith.constant 0 : i32
      %dma_start3A_340 = arith.constant 0 : i32
      %dma_start3A_341 = tpu.memref_slice %arg3[%mul3A_333, %dma_start3A_339, %dma_start3A_340] : memref<2560x64x256xf32, #tpu.memory_space<hbm>> -> memref<1x64x256xf32, #tpu.memory_space<hbm>>
      %dma_start3A_342 = tpu.memref_squeeze %dma_start3A_341 : memref<1x64x256xf32, #tpu.memory_space<hbm>> -> memref<64x256xf32, #tpu.memory_space<hbm>>
      %dma_start3A_343 = tpu.memref_slice %arg7[%rem3A_304] : memref<2x!tpu.dma_semaphore, #tpu.memory_space<semaphore_mem>> -> memref<1x!tpu.dma_semaphore, #tpu.memory_space<semaphore_mem>>
      %dma_start3A_344 = tpu.memref_squeeze %dma_start3A_343 : memref<1x!tpu.dma_semaphore, #tpu.memory_space<semaphore_mem>> -> memref<!tpu.dma_semaphore, #tpu.memory_space<semaphore_mem>>
      %dma_start3A_345 = arith.constant 0 : i32
      %dma_start3A_346 = arith.constant 0 : i32
      %dma_start3A_347 = tpu.memref_slice %arg3[%mul3A_333, %dma_start3A_345, %dma_start3A_346] : memref<2560x64x256xf32, #tpu.memory_space<hbm>> -> memref<1x64x256xf32, #tpu.memory_space<hbm>>
      %dma_start3A_348 = tpu.memref_squeeze %dma_start3A_347 : memref<1x64x256xf32, #tpu.memory_space<hbm>> -> memref<64x256xf32, #tpu.memory_space<hbm>>
      %dma_start3A_349 = arith.constant 0 : i32
      %dma_start3A_350 = arith.constant 0 : i32
      %dma_start3A_351 = tpu.memref_slice %arg4[%rem3A_304, %dma_start3A_334, %dma_start3A_349, %dma_start3A_350] : memref<2x2x64x256xf32, #tpu.memory_space<vmem>> -> memref<1x1x64x256xf32, #tpu.memory_space<vmem>>
      %dma_start3A_352 = tpu.memref_squeeze %dma_start3A_351 : memref<1x1x64x256xf32, #tpu.memory_space<vmem>> -> memref<64x256xf32, #tpu.memory_space<vmem>>
      tpu.enqueue_dma source(%dma_start3A_352 : memref<64x256xf32, #tpu.memory_space<vmem>>) target(%dma_start3A_348 : memref<64x256xf32, #tpu.memory_space<hbm>>) target_semaphore(%dma_start3A_344 : memref<!tpu.dma_semaphore, #tpu.memory_space<semaphore_mem>>)
      %add3A_353 = arith.constant 1 : i32
      %add3A_354 = arith.addi %mul3A_333, %add3A_353 : i32
      %dma_start3A_355 = arith.constant 0 : i32
      %dma_start3A_356 = arith.constant 0 : i32
      %dma_start3A_357 = arith.constant 0 : i32
      %dma_start3A_358 = tpu.memref_slice %arg4[%rem3A_304, %dma_start3A_355, %dma_start3A_356, %dma_start3A_357] : memref<2x2x64x256xf32, #tpu.memory_space<vmem>> -> memref<1x2x64x256xf32, #tpu.memory_space<vmem>>
      %dma_start3A_359 = tpu.memref_squeeze %dma_start3A_358 : memref<1x2x64x256xf32, #tpu.memory_space<vmem>> -> memref<2x64x256xf32, #tpu.memory_space<vmem>>
      %dma_start3A_360 = arith.constant 0 : i32
      %dma_start3A_361 = arith.constant 0 : i32
      %dma_start3A_362 = tpu.memref_slice %arg3[%add3A_354, %dma_start3A_360, %dma_start3A_361] : memref<2560x64x256xf32, #tpu.memory_space<hbm>> -> memref<2x64x256xf32, #tpu.memory_space<hbm>>
      %dma_start3A_363 = tpu.memref_slice %arg7[%rem3A_304] : memref<2x!tpu.dma_semaphore, #tpu.memory_space<semaphore_mem>> -> memref<1x!tpu.dma_semaphore, #tpu.memory_space<semaphore_mem>>
      %dma_start3A_364 = tpu.memref_squeeze %dma_start3A_363 : memref<1x!tpu.dma_semaphore, #tpu.memory_space<semaphore_mem>> -> memref<!tpu.dma_semaphore, #tpu.memory_space<semaphore_mem>>
      %dma_start3A_365 = arith.constant 0 : i32
      %dma_start3A_366 = arith.constant 0 : i32
      %dma_start3A_367 = tpu.memref_slice %arg3[%add3A_354, %dma_start3A_365, %dma_start3A_366] : memref<2560x64x256xf32, #tpu.memory_space<hbm>> -> memref<2x64x256xf32, #tpu.memory_space<hbm>>
      %dma_start3A_368 = arith.constant 0 : i32
      %dma_start3A_369 = arith.constant 0 : i32
      %dma_start3A_370 = arith.constant 0 : i32
      %dma_start3A_371 = tpu.memref_slice %arg4[%rem3A_304, %dma_start3A_368, %dma_start3A_369, %dma_start3A_370] : memref<2x2x64x256xf32, #tpu.memory_space<vmem>> -> memref<1x2x64x256xf32, #tpu.memory_space<vmem>>
      %dma_start3A_372 = tpu.memref_squeeze %dma_start3A_371 : memref<1x2x64x256xf32, #tpu.memory_space<vmem>> -> memref<2x64x256xf32, #tpu.memory_space<vmem>>
      tpu.enqueue_dma source(%dma_start3A_372 : memref<2x64x256xf32, #tpu.memory_space<vmem>>) target(%dma_start3A_367 : memref<2x64x256xf32, #tpu.memory_space<hbm>>) target_semaphore(%dma_start3A_364 : memref<!tpu.dma_semaphore, #tpu.memory_space<semaphore_mem>>)
      %add3A_373 = arith.constant 3 : i32
      %add3A_374 = arith.addi %mul3A_333, %add3A_373 : i32
      %dma_start3A_375 = arith.constant 1 : i32
      %dma_start3A_376 = arith.constant 0 : i32
      %dma_start3A_377 = arith.constant 0 : i32
      %dma_start3A_378 = tpu.memref_slice %arg4[%rem3A_304, %dma_start3A_375, %dma_start3A_376, %dma_start3A_377] : memref<2x2x64x256xf32, #tpu.memory_space<vmem>> -> memref<1x1x64x256xf32, #tpu.memory_space<vmem>>
      %dma_start3A_379 = tpu.memref_squeeze %dma_start3A_378 : memref<1x1x64x256xf32, #tpu.memory_space<vmem>> -> memref<64x256xf32, #tpu.memory_space<vmem>>
      %dma_start3A_380 = arith.constant 0 : i32
      %dma_start3A_381 = arith.constant 0 : i32
      %dma_start3A_382 = tpu.memref_slice %arg3[%add3A_374, %dma_start3A_380, %dma_start3A_381] : memref<2560x64x256xf32, #tpu.memory_space<hbm>> -> memref<1x64x256xf32, #tpu.memory_space<hbm>>
      %dma_start3A_383 = tpu.memref_squeeze %dma_start3A_382 : memref<1x64x256xf32, #tpu.memory_space<hbm>> -> memref<64x256xf32, #tpu.memory_space<hbm>>
      %dma_start3A_384 = tpu.memref_slice %arg7[%rem3A_304] : memref<2x!tpu.dma_semaphore, #tpu.memory_space<semaphore_mem>> -> memref<1x!tpu.dma_semaphore, #tpu.memory_space<semaphore_mem>>
      %dma_start3A_385 = tpu.memref_squeeze %dma_start3A_384 : memref<1x!tpu.dma_semaphore, #tpu.memory_space<semaphore_mem>> -> memref<!tpu.dma_semaphore, #tpu.memory_space<semaphore_mem>>
      %dma_start3A_386 = arith.constant 0 : i32
      %dma_start3A_387 = arith.constant 0 : i32
      %dma_start3A_388 = tpu.memref_slice %arg3[%add3A_374, %dma_start3A_386, %dma_start3A_387] : memref<2560x64x256xf32, #tpu.memory_space<hbm>> -> memref<1x64x256xf32, #tpu.memory_space<hbm>>
      %dma_start3A_389 = tpu.memref_squeeze %dma_start3A_388 : memref<1x64x256xf32, #tpu.memory_space<hbm>> -> memref<64x256xf32, #tpu.memory_space<hbm>>
      %dma_start3A_390 = arith.constant 0 : i32
      %dma_start3A_391 = arith.constant 0 : i32
      %dma_start3A_392 = tpu.memref_slice %arg4[%rem3A_304, %dma_start3A_375, %dma_start3A_390, %dma_start3A_391] : memref<2x2x64x256xf32, #tpu.memory_space<vmem>> -> memref<1x1x64x256xf32, #tpu.memory_space<vmem>>
      %dma_start3A_393 = tpu.memref_squeeze %dma_start3A_392 : memref<1x1x64x256xf32, #tpu.memory_space<vmem>> -> memref<64x256xf32, #tpu.memory_space<vmem>>
      tpu.enqueue_dma source(%dma_start3A_393 : memref<64x256xf32, #tpu.memory_space<vmem>>) target(%dma_start3A_389 : memref<64x256xf32, #tpu.memory_space<hbm>>) target_semaphore(%dma_start3A_385 : memref<!tpu.dma_semaphore, #tpu.memory_space<semaphore_mem>>)
      %dma_wait3A_394 = tpu.memref_slice %arg8[%rem3A_304] : memref<2x!tpu.dma_semaphore, #tpu.memory_space<semaphore_mem>> -> memref<1x!tpu.dma_semaphore, #tpu.memory_space<semaphore_mem>>
      %dma_wait3A_395 = tpu.memref_squeeze %dma_wait3A_394 : memref<1x!tpu.dma_semaphore, #tpu.memory_space<semaphore_mem>> -> memref<!tpu.dma_semaphore, #tpu.memory_space<semaphore_mem>>
      %dma_wait3A_396 = arith.constant 0 : i32
      %dma_wait3A_397 = arith.constant 0 : i32
      %dma_wait3A_398 = arith.constant 0 : i32
      %dma_wait3A_399 = arith.constant 0 : i32
      %dma_wait3A_400 = tpu.memref_slice %arg5[%arg1, %dma_wait3A_396, %dma_wait3A_397, %dma_wait3A_398, %dma_wait3A_399] : memref<16x2x2x64x256xf32, #tpu.memory_space<vmem_shared>> -> memref<1x2x2x64x256xf32, #tpu.memory_space<vmem_shared>>
      %dma_wait3A_401 = tpu.memref_squeeze %dma_wait3A_400 : memref<1x2x2x64x256xf32, #tpu.memory_space<vmem_shared>> -> memref<2x2x64x256xf32, #tpu.memory_space<vmem_shared>>
      %dma_wait3A_402 = arith.constant 0 : i32
      %dma_wait3A_403 = arith.constant 0 : i32
      %dma_wait3A_404 = arith.constant 0 : i32
      %dma_wait3A_405 = tpu.memref_slice %dma_wait3A_401[%rem3A_304, %dma_wait3A_402, %dma_wait3A_403, %dma_wait3A_404] : memref<2x2x64x256xf32, #tpu.memory_space<vmem_shared>> -> memref<1x2x64x256xf32, #tpu.memory_space<vmem_shared>>
      %dma_wait3A_406 = tpu.memref_squeeze %dma_wait3A_405 : memref<1x2x64x256xf32, #tpu.memory_space<vmem_shared>> -> memref<2x64x256xf32, #tpu.memory_space<vmem_shared>>
      %dma_wait3A_407 = arith.constant 0 : i32
      %dma_wait3A_408 = arith.constant 0 : i32
      %dma_wait3A_409 = arith.constant 0 : i32
      %dma_wait3A_410 = tpu.memref_slice %arg2[%dma_wait3A_407, %dma_wait3A_408, %dma_wait3A_409] : memref<1280x64x256xf32, #tpu.memory_space<hbm>> -> memref<2x64x256xf32, #tpu.memory_space<hbm>>
      tpu.wait_dma2 semaphore(%dma_wait3A_395 : memref<!tpu.dma_semaphore, #tpu.memory_space<semaphore_mem>>) src(%dma_wait3A_410 : memref<2x64x256xf32, #tpu.memory_space<hbm>>) dst(%dma_wait3A_406 : memref<2x64x256xf32, #tpu.memory_space<vmem_shared>>)
      %mul3A_411 = arith.constant 2 : i32
      %mul3A_412 = arith.muli %mul3A_411, %scan3A_303 : i32
      %add3A_413 = arith.addi %mul3A_2, %mul3A_412 : i32
      %add3A_414 = arith.constant 1 : i32
      %add3A_415 = arith.addi %add3A_413, %add3A_414 : i32
      %mul3A_416 = arith.constant 4 : i32
      %mul3A_417 = arith.muli %mul3A_416, %add3A_415 : i32
      %dma_start3A_418 = arith.constant 0 : i32
      %dma_start3A_419 = tpu.memref_slice %arg9[%rem3A_304] : memref<2x!tpu.dma_semaphore, #tpu.memory_space<semaphore_mem>> -> memref<1x!tpu.dma_semaphore, #tpu.memory_space<semaphore_mem>>
      %dma_start3A_420 = tpu.memref_squeeze %dma_start3A_419 : memref<1x!tpu.dma_semaphore, #tpu.memory_space<semaphore_mem>> -> memref<!tpu.dma_semaphore, #tpu.memory_space<semaphore_mem>>
      %dma_start3A_421 = arith.constant 0 : i32
      %dma_start3A_422 = arith.constant 0 : i32
      %dma_start3A_423 = tpu.memref_slice %arg3[%mul3A_417, %dma_start3A_421, %dma_start3A_422] : memref<2560x64x256xf32, #tpu.memory_space<hbm>> -> memref<1x64x256xf32, #tpu.memory_space<hbm>>
      %dma_start3A_424 = tpu.memref_squeeze %dma_start3A_423 : memref<1x64x256xf32, #tpu.memory_space<hbm>> -> memref<64x256xf32, #tpu.memory_space<hbm>>
      %dma_start3A_425 = arith.constant 0 : i32
      %dma_start3A_426 = arith.constant 0 : i32
      %dma_start3A_427 = arith.constant 0 : i32
      %dma_start3A_428 = arith.constant 0 : i32
      %dma_start3A_429 = tpu.memref_slice %arg5[%arg1, %dma_start3A_425, %dma_start3A_426, %dma_start3A_427, %dma_start3A_428] : memref<16x2x2x64x256xf32, #tpu.memory_space<vmem_shared>> -> memref<1x2x2x64x256xf32, #tpu.memory_space<vmem_shared>>
      %dma_start3A_430 = tpu.memref_squeeze %dma_start3A_429 : memref<1x2x2x64x256xf32, #tpu.memory_space<vmem_shared>> -> memref<2x2x64x256xf32, #tpu.memory_space<vmem_shared>>
      %dma_start3A_431 = arith.constant 0 : i32
      %dma_start3A_432 = arith.constant 0 : i32
      %dma_start3A_433 = tpu.memref_slice %dma_start3A_430[%rem3A_304, %dma_start3A_418, %dma_start3A_431, %dma_start3A_432] : memref<2x2x64x256xf32, #tpu.memory_space<vmem_shared>> -> memref<1x1x64x256xf32, #tpu.memory_space<vmem_shared>>
      %dma_start3A_434 = tpu.memref_squeeze %dma_start3A_433 : memref<1x1x64x256xf32, #tpu.memory_space<vmem_shared>> -> memref<64x256xf32, #tpu.memory_space<vmem_shared>>
      tpu.enqueue_dma source(%dma_start3A_434 : memref<64x256xf32, #tpu.memory_space<vmem_shared>>) target(%dma_start3A_424 : memref<64x256xf32, #tpu.memory_space<hbm>>) target_semaphore(%dma_start3A_420 : memref<!tpu.dma_semaphore, #tpu.memory_space<semaphore_mem>>)
      %add3A_435 = arith.constant 1 : i32
      %add3A_436 = arith.addi %mul3A_417, %add3A_435 : i32
      %dma_start3A_437 = tpu.memref_slice %arg9[%rem3A_304] : memref<2x!tpu.dma_semaphore, #tpu.memory_space<semaphore_mem>> -> memref<1x!tpu.dma_semaphore, #tpu.memory_space<semaphore_mem>>
      %dma_start3A_438 = tpu.memref_squeeze %dma_start3A_437 : memref<1x!tpu.dma_semaphore, #tpu.memory_space<semaphore_mem>> -> memref<!tpu.dma_semaphore, #tpu.memory_space<semaphore_mem>>
      %dma_start3A_439 = arith.constant 0 : i32
      %dma_start3A_440 = arith.constant 0 : i32
      %dma_start3A_441 = tpu.memref_slice %arg3[%add3A_436, %dma_start3A_439, %dma_start3A_440] : memref<2560x64x256xf32, #tpu.memory_space<hbm>> -> memref<2x64x256xf32, #tpu.memory_space<hbm>>
      %dma_start3A_442 = arith.constant 0 : i32
      %dma_start3A_443 = arith.constant 0 : i32
      %dma_start3A_444 = arith.constant 0 : i32
      %dma_start3A_445 = arith.constant 0 : i32
      %dma_start3A_446 = tpu.memref_slice %arg5[%arg1, %dma_start3A_442, %dma_start3A_443, %dma_start3A_444, %dma_start3A_445] : memref<16x2x2x64x256xf32, #tpu.memory_space<vmem_shared>> -> memref<1x2x2x64x256xf32, #tpu.memory_space<vmem_shared>>
      %dma_start3A_447 = tpu.memref_squeeze %dma_start3A_446 : memref<1x2x2x64x256xf32, #tpu.memory_space<vmem_shared>> -> memref<2x2x64x256xf32, #tpu.memory_space<vmem_shared>>
      %dma_start3A_448 = arith.constant 0 : i32
      %dma_start3A_449 = arith.constant 0 : i32
      %dma_start3A_450 = arith.constant 0 : i32
      %dma_start3A_451 = tpu.memref_slice %dma_start3A_447[%rem3A_304, %dma_start3A_448, %dma_start3A_449, %dma_start3A_450] : memref<2x2x64x256xf32, #tpu.memory_space<vmem_shared>> -> memref<1x2x64x256xf32, #tpu.memory_space<vmem_shared>>
      %dma_start3A_452 = tpu.memref_squeeze %dma_start3A_451 : memref<1x2x64x256xf32, #tpu.memory_space<vmem_shared>> -> memref<2x64x256xf32, #tpu.memory_space<vmem_shared>>
      tpu.enqueue_dma source(%dma_start3A_452 : memref<2x64x256xf32, #tpu.memory_space<vmem_shared>>) target(%dma_start3A_441 : memref<2x64x256xf32, #tpu.memory_space<hbm>>) target_semaphore(%dma_start3A_438 : memref<!tpu.dma_semaphore, #tpu.memory_space<semaphore_mem>>)
      %add3A_453 = arith.constant 3 : i32
      %add3A_454 = arith.addi %mul3A_417, %add3A_453 : i32
      %dma_start3A_455 = arith.constant 1 : i32
      %dma_start3A_456 = tpu.memref_slice %arg9[%rem3A_304] : memref<2x!tpu.dma_semaphore, #tpu.memory_space<semaphore_mem>> -> memref<1x!tpu.dma_semaphore, #tpu.memory_space<semaphore_mem>>
      %dma_start3A_457 = tpu.memref_squeeze %dma_start3A_456 : memref<1x!tpu.dma_semaphore, #tpu.memory_space<semaphore_mem>> -> memref<!tpu.dma_semaphore, #tpu.memory_space<semaphore_mem>>
      %dma_start3A_458 = arith.constant 0 : i32
      %dma_start3A_459 = arith.constant 0 : i32
      %dma_start3A_460 = tpu.memref_slice %arg3[%add3A_454, %dma_start3A_458, %dma_start3A_459] : memref<2560x64x256xf32, #tpu.memory_space<hbm>> -> memref<1x64x256xf32, #tpu.memory_space<hbm>>
      %dma_start3A_461 = tpu.memref_squeeze %dma_start3A_460 : memref<1x64x256xf32, #tpu.memory_space<hbm>> -> memref<64x256xf32, #tpu.memory_space<hbm>>
      %dma_start3A_462 = arith.constant 0 : i32
      %dma_start3A_463 = arith.constant 0 : i32
      %dma_start3A_464 = arith.constant 0 : i32
      %dma_start3A_465 = arith.constant 0 : i32
      %dma_start3A_466 = tpu.memref_slice %arg5[%arg1, %dma_start3A_462, %dma_start3A_463, %dma_start3A_464, %dma_start3A_465] : memref<16x2x2x64x256xf32, #tpu.memory_space<vmem_shared>> -> memref<1x2x2x64x256xf32, #tpu.memory_space<vmem_shared>>
      %dma_start3A_467 = tpu.memref_squeeze %dma_start3A_466 : memref<1x2x2x64x256xf32, #tpu.memory_space<vmem_shared>> -> memref<2x2x64x256xf32, #tpu.memory_space<vmem_shared>>
      %dma_start3A_468 = arith.constant 0 : i32
      %dma_start3A_469 = arith.constant 0 : i32
      %dma_start3A_470 = tpu.memref_slice %dma_start3A_467[%rem3A_304, %dma_start3A_455, %dma_start3A_468, %dma_start3A_469] : memref<2x2x64x256xf32, #tpu.memory_space<vmem_shared>> -> memref<1x1x64x256xf32, #tpu.memory_space<vmem_shared>>
      %dma_start3A_471 = tpu.memref_squeeze %dma_start3A_470 : memref<1x1x64x256xf32, #tpu.memory_space<vmem_shared>> -> memref<64x256xf32, #tpu.memory_space<vmem_shared>>
      tpu.enqueue_dma source(%dma_start3A_471 : memref<64x256xf32, #tpu.memory_space<vmem_shared>>) target(%dma_start3A_461 : memref<64x256xf32, #tpu.memory_space<hbm>>) target_semaphore(%dma_start3A_457 : memref<!tpu.dma_semaphore, #tpu.memory_space<semaphore_mem>>)
    }
    %scan3A_53 = arith.constant 10 : i32
    %dma_wait3A = arith.constant 0 : i32
    %dma_wait3A_54 = arith.constant 0 : i32
    %dma_wait3A_55 = arith.constant 0 : i32
    %dma_wait3A_56 = arith.constant 0 : i32
    %dma_wait3A_57 = arith.constant 0 : i32
    %dma_wait3A_58 = tpu.memref_slice %arg4[%dma_wait3A, %dma_wait3A_55, %dma_wait3A_56, %dma_wait3A_57] : memref<2x2x64x256xf32, #tpu.memory_space<vmem>> -> memref<1x2x64x256xf32, #tpu.memory_space<vmem>>
    %dma_wait3A_59 = tpu.memref_squeeze %dma_wait3A_58 : memref<1x2x64x256xf32, #tpu.memory_space<vmem>> -> memref<2x64x256xf32, #tpu.memory_space<vmem>>
    %dma_wait3A_60 = arith.constant 0 : i32
    %dma_wait3A_61 = arith.constant 0 : i32
    %dma_wait3A_62 = arith.constant 0 : i32
    %dma_wait3A_63 = tpu.memref_slice %arg3[%dma_wait3A_60, %dma_wait3A_61, %dma_wait3A_62] : memref<2560x64x256xf32, #tpu.memory_space<hbm>> -> memref<2x64x256xf32, #tpu.memory_space<hbm>>
    %dma_wait3A_64 = tpu.memref_slice %arg7[%dma_wait3A_54] : memref<2x!tpu.dma_semaphore, #tpu.memory_space<semaphore_mem>> -> memref<1x!tpu.dma_semaphore, #tpu.memory_space<semaphore_mem>>
    %dma_wait3A_65 = tpu.memref_squeeze %dma_wait3A_64 : memref<1x!tpu.dma_semaphore, #tpu.memory_space<semaphore_mem>> -> memref<!tpu.dma_semaphore, #tpu.memory_space<semaphore_mem>>
    %dma_wait3A_66 = arith.constant 0 : i32
    %dma_wait3A_67 = arith.constant 0 : i32
    %dma_wait3A_68 = arith.constant 0 : i32
    %dma_wait3A_69 = tpu.memref_slice %arg3[%dma_wait3A_66, %dma_wait3A_67, %dma_wait3A_68] : memref<2560x64x256xf32, #tpu.memory_space<hbm>> -> memref<2x64x256xf32, #tpu.memory_space<hbm>>
    %dma_wait3A_70 = arith.constant 0 : i32
    %dma_wait3A_71 = arith.constant 0 : i32
    %dma_wait3A_72 = arith.constant 0 : i32
    %dma_wait3A_73 = tpu.memref_slice %arg4[%dma_wait3A, %dma_wait3A_70, %dma_wait3A_71, %dma_wait3A_72] : memref<2x2x64x256xf32, #tpu.memory_space<vmem>> -> memref<1x2x64x256xf32, #tpu.memory_space<vmem>>
    %dma_wait3A_74 = tpu.memref_squeeze %dma_wait3A_73 : memref<1x2x64x256xf32, #tpu.memory_space<vmem>> -> memref<2x64x256xf32, #tpu.memory_space<vmem>>
    tpu.wait_dma2 semaphore(%dma_wait3A_65 : memref<!tpu.dma_semaphore, #tpu.memory_space<semaphore_mem>>) src(%dma_wait3A_74 : memref<2x64x256xf32, #tpu.memory_space<vmem>>) dst(%dma_wait3A_69 : memref<2x64x256xf32, #tpu.memory_space<hbm>>)
    %dma_wait3A_75 = arith.constant 0 : i32
    %dma_wait3A_76 = arith.constant 0 : i32
    %dma_wait3A_77 = arith.constant 0 : i32
    %dma_wait3A_78 = arith.constant 0 : i32
    %dma_wait3A_79 = arith.constant 0 : i32
    %dma_wait3A_80 = arith.constant 0 : i32
    %dma_wait3A_81 = tpu.memref_slice %arg4[%dma_wait3A_75, %dma_wait3A_76, %dma_wait3A_79, %dma_wait3A_80] : memref<2x2x64x256xf32, #tpu.memory_space<vmem>> -> memref<1x1x64x256xf32, #tpu.memory_space<vmem>>
    %dma_wait3A_82 = tpu.memref_squeeze %dma_wait3A_81 : memref<1x1x64x256xf32, #tpu.memory_space<vmem>> -> memref<64x256xf32, #tpu.memory_space<vmem>>
    %dma_wait3A_83 = arith.constant 0 : i32
    %dma_wait3A_84 = arith.constant 0 : i32
    %dma_wait3A_85 = tpu.memref_slice %arg3[%dma_wait3A_77, %dma_wait3A_83, %dma_wait3A_84] : memref<2560x64x256xf32, #tpu.memory_space<hbm>> -> memref<1x64x256xf32, #tpu.memory_space<hbm>>
    %dma_wait3A_86 = tpu.memref_squeeze %dma_wait3A_85 : memref<1x64x256xf32, #tpu.memory_space<hbm>> -> memref<64x256xf32, #tpu.memory_space<hbm>>
    %dma_wait3A_87 = tpu.memref_slice %arg7[%dma_wait3A_78] : memref<2x!tpu.dma_semaphore, #tpu.memory_space<semaphore_mem>> -> memref<1x!tpu.dma_semaphore, #tpu.memory_space<semaphore_mem>>
    %dma_wait3A_88 = tpu.memref_squeeze %dma_wait3A_87 : memref<1x!tpu.dma_semaphore, #tpu.memory_space<semaphore_mem>> -> memref<!tpu.dma_semaphore, #tpu.memory_space<semaphore_mem>>
    %dma_wait3A_89 = arith.constant 0 : i32
    %dma_wait3A_90 = arith.constant 0 : i32
    %dma_wait3A_91 = tpu.memref_slice %arg3[%dma_wait3A_77, %dma_wait3A_89, %dma_wait3A_90] : memref<2560x64x256xf32, #tpu.memory_space<hbm>> -> memref<1x64x256xf32, #tpu.memory_space<hbm>>
    %dma_wait3A_92 = tpu.memref_squeeze %dma_wait3A_91 : memref<1x64x256xf32, #tpu.memory_space<hbm>> -> memref<64x256xf32, #tpu.memory_space<hbm>>
    %dma_wait3A_93 = arith.constant 0 : i32
    %dma_wait3A_94 = arith.constant 0 : i32
    %dma_wait3A_95 = tpu.memref_slice %arg4[%dma_wait3A_75, %dma_wait3A_76, %dma_wait3A_93, %dma_wait3A_94] : memref<2x2x64x256xf32, #tpu.memory_space<vmem>> -> memref<1x1x64x256xf32, #tpu.memory_space<vmem>>
    %dma_wait3A_96 = tpu.memref_squeeze %dma_wait3A_95 : memref<1x1x64x256xf32, #tpu.memory_space<vmem>> -> memref<64x256xf32, #tpu.memory_space<vmem>>
    tpu.wait_dma2 semaphore(%dma_wait3A_88 : memref<!tpu.dma_semaphore, #tpu.memory_space<semaphore_mem>>) src(%dma_wait3A_96 : memref<64x256xf32, #tpu.memory_space<vmem>>) dst(%dma_wait3A_92 : memref<64x256xf32, #tpu.memory_space<hbm>>)
    %dma_wait3A_97 = arith.constant 0 : i32
    %dma_wait3A_98 = arith.constant 1 : i32
    %dma_wait3A_99 = arith.constant 0 : i32
    %dma_wait3A_100 = arith.constant 0 : i32
    %dma_wait3A_101 = arith.constant 0 : i32
    %dma_wait3A_102 = arith.constant 0 : i32
    %dma_wait3A_103 = tpu.memref_slice %arg4[%dma_wait3A_97, %dma_wait3A_98, %dma_wait3A_101, %dma_wait3A_102] : memref<2x2x64x256xf32, #tpu.memory_space<vmem>> -> memref<1x1x64x256xf32, #tpu.memory_space<vmem>>
    %dma_wait3A_104 = tpu.memref_squeeze %dma_wait3A_103 : memref<1x1x64x256xf32, #tpu.memory_space<vmem>> -> memref<64x256xf32, #tpu.memory_space<vmem>>
    %dma_wait3A_105 = arith.constant 0 : i32
    %dma_wait3A_106 = arith.constant 0 : i32
    %dma_wait3A_107 = tpu.memref_slice %arg3[%dma_wait3A_99, %dma_wait3A_105, %dma_wait3A_106] : memref<2560x64x256xf32, #tpu.memory_space<hbm>> -> memref<1x64x256xf32, #tpu.memory_space<hbm>>
    %dma_wait3A_108 = tpu.memref_squeeze %dma_wait3A_107 : memref<1x64x256xf32, #tpu.memory_space<hbm>> -> memref<64x256xf32, #tpu.memory_space<hbm>>
    %dma_wait3A_109 = tpu.memref_slice %arg7[%dma_wait3A_100] : memref<2x!tpu.dma_semaphore, #tpu.memory_space<semaphore_mem>> -> memref<1x!tpu.dma_semaphore, #tpu.memory_space<semaphore_mem>>
    %dma_wait3A_110 = tpu.memref_squeeze %dma_wait3A_109 : memref<1x!tpu.dma_semaphore, #tpu.memory_space<semaphore_mem>> -> memref<!tpu.dma_semaphore, #tpu.memory_space<semaphore_mem>>
    %dma_wait3A_111 = arith.constant 0 : i32
    %dma_wait3A_112 = arith.constant 0 : i32
    %dma_wait3A_113 = tpu.memref_slice %arg3[%dma_wait3A_99, %dma_wait3A_111, %dma_wait3A_112] : memref<2560x64x256xf32, #tpu.memory_space<hbm>> -> memref<1x64x256xf32, #tpu.memory_space<hbm>>
    %dma_wait3A_114 = tpu.memref_squeeze %dma_wait3A_113 : memref<1x64x256xf32, #tpu.memory_space<hbm>> -> memref<64x256xf32, #tpu.memory_space<hbm>>
    %dma_wait3A_115 = arith.constant 0 : i32
    %dma_wait3A_116 = arith.constant 0 : i32
    %dma_wait3A_117 = tpu.memref_slice %arg4[%dma_wait3A_97, %dma_wait3A_98, %dma_wait3A_115, %dma_wait3A_116] : memref<2x2x64x256xf32, #tpu.memory_space<vmem>> -> memref<1x1x64x256xf32, #tpu.memory_space<vmem>>
    %dma_wait3A_118 = tpu.memref_squeeze %dma_wait3A_117 : memref<1x1x64x256xf32, #tpu.memory_space<vmem>> -> memref<64x256xf32, #tpu.memory_space<vmem>>
    tpu.wait_dma2 semaphore(%dma_wait3A_110 : memref<!tpu.dma_semaphore, #tpu.memory_space<semaphore_mem>>) src(%dma_wait3A_118 : memref<64x256xf32, #tpu.memory_space<vmem>>) dst(%dma_wait3A_114 : memref<64x256xf32, #tpu.memory_space<hbm>>)
    %dma_wait3A_119 = arith.constant 0 : i32
    %dma_wait3A_120 = arith.constant 0 : i32
    %dma_wait3A_121 = tpu.memref_slice %arg9[%dma_wait3A_120] : memref<2x!tpu.dma_semaphore, #tpu.memory_space<semaphore_mem>> -> memref<1x!tpu.dma_semaphore, #tpu.memory_space<semaphore_mem>>
    %dma_wait3A_122 = tpu.memref_squeeze %dma_wait3A_121 : memref<1x!tpu.dma_semaphore, #tpu.memory_space<semaphore_mem>> -> memref<!tpu.dma_semaphore, #tpu.memory_space<semaphore_mem>>
    %dma_wait3A_123 = arith.constant 0 : i32
    %dma_wait3A_124 = arith.constant 0 : i32
    %dma_wait3A_125 = arith.constant 0 : i32
    %dma_wait3A_126 = tpu.memref_slice %arg3[%dma_wait3A_123, %dma_wait3A_124, %dma_wait3A_125] : memref<2560x64x256xf32, #tpu.memory_space<hbm>> -> memref<2x64x256xf32, #tpu.memory_space<hbm>>
    %dma_wait3A_127 = arith.constant 0 : i32
    %dma_wait3A_128 = arith.constant 0 : i32
    %dma_wait3A_129 = arith.constant 0 : i32
    %dma_wait3A_130 = arith.constant 0 : i32
    %dma_wait3A_131 = tpu.memref_slice %arg5[%arg1, %dma_wait3A_127, %dma_wait3A_128, %dma_wait3A_129, %dma_wait3A_130] : memref<16x2x2x64x256xf32, #tpu.memory_space<vmem_shared>> -> memref<1x2x2x64x256xf32, #tpu.memory_space<vmem_shared>>
    %dma_wait3A_132 = tpu.memref_squeeze %dma_wait3A_131 : memref<1x2x2x64x256xf32, #tpu.memory_space<vmem_shared>> -> memref<2x2x64x256xf32, #tpu.memory_space<vmem_shared>>
    %dma_wait3A_133 = arith.constant 0 : i32
    %dma_wait3A_134 = arith.constant 0 : i32
    %dma_wait3A_135 = arith.constant 0 : i32
    %dma_wait3A_136 = tpu.memref_slice %dma_wait3A_132[%dma_wait3A_119, %dma_wait3A_133, %dma_wait3A_134, %dma_wait3A_135] : memref<2x2x64x256xf32, #tpu.memory_space<vmem_shared>> -> memref<1x2x64x256xf32, #tpu.memory_space<vmem_shared>>
    %dma_wait3A_137 = tpu.memref_squeeze %dma_wait3A_136 : memref<1x2x64x256xf32, #tpu.memory_space<vmem_shared>> -> memref<2x64x256xf32, #tpu.memory_space<vmem_shared>>
    tpu.wait_dma2 semaphore(%dma_wait3A_122 : memref<!tpu.dma_semaphore, #tpu.memory_space<semaphore_mem>>) src(%dma_wait3A_137 : memref<2x64x256xf32, #tpu.memory_space<vmem_shared>>) dst(%dma_wait3A_126 : memref<2x64x256xf32, #tpu.memory_space<hbm>>)
    %dma_wait3A_138 = arith.constant 0 : i32
    %dma_wait3A_139 = arith.constant 0 : i32
    %dma_wait3A_140 = arith.constant 0 : i32
    %dma_wait3A_141 = arith.constant 0 : i32
    %dma_wait3A_142 = tpu.memref_slice %arg9[%dma_wait3A_141] : memref<2x!tpu.dma_semaphore, #tpu.memory_space<semaphore_mem>> -> memref<1x!tpu.dma_semaphore, #tpu.memory_space<semaphore_mem>>
    %dma_wait3A_143 = tpu.memref_squeeze %dma_wait3A_142 : memref<1x!tpu.dma_semaphore, #tpu.memory_space<semaphore_mem>> -> memref<!tpu.dma_semaphore, #tpu.memory_space<semaphore_mem>>
    %dma_wait3A_144 = arith.constant 0 : i32
    %dma_wait3A_145 = arith.constant 0 : i32
    %dma_wait3A_146 = tpu.memref_slice %arg3[%dma_wait3A_140, %dma_wait3A_144, %dma_wait3A_145] : memref<2560x64x256xf32, #tpu.memory_space<hbm>> -> memref<1x64x256xf32, #tpu.memory_space<hbm>>
    %dma_wait3A_147 = tpu.memref_squeeze %dma_wait3A_146 : memref<1x64x256xf32, #tpu.memory_space<hbm>> -> memref<64x256xf32, #tpu.memory_space<hbm>>
    %dma_wait3A_148 = arith.constant 0 : i32
    %dma_wait3A_149 = arith.constant 0 : i32
    %dma_wait3A_150 = arith.constant 0 : i32
    %dma_wait3A_151 = arith.constant 0 : i32
    %dma_wait3A_152 = tpu.memref_slice %arg5[%arg1, %dma_wait3A_148, %dma_wait3A_149, %dma_wait3A_150, %dma_wait3A_151] : memref<16x2x2x64x256xf32, #tpu.memory_space<vmem_shared>> -> memref<1x2x2x64x256xf32, #tpu.memory_space<vmem_shared>>
    %dma_wait3A_153 = tpu.memref_squeeze %dma_wait3A_152 : memref<1x2x2x64x256xf32, #tpu.memory_space<vmem_shared>> -> memref<2x2x64x256xf32, #tpu.memory_space<vmem_shared>>
    %dma_wait3A_154 = arith.constant 0 : i32
    %dma_wait3A_155 = arith.constant 0 : i32
    %dma_wait3A_156 = tpu.memref_slice %dma_wait3A_153[%dma_wait3A_138, %dma_wait3A_139, %dma_wait3A_154, %dma_wait3A_155] : memref<2x2x64x256xf32, #tpu.memory_space<vmem_shared>> -> memref<1x1x64x256xf32, #tpu.memory_space<vmem_shared>>
    %dma_wait3A_157 = tpu.memref_squeeze %dma_wait3A_156 : memref<1x1x64x256xf32, #tpu.memory_space<vmem_shared>> -> memref<64x256xf32, #tpu.memory_space<vmem_shared>>
    tpu.wait_dma2 semaphore(%dma_wait3A_143 : memref<!tpu.dma_semaphore, #tpu.memory_space<semaphore_mem>>) src(%dma_wait3A_157 : memref<64x256xf32, #tpu.memory_space<vmem_shared>>) dst(%dma_wait3A_147 : memref<64x256xf32, #tpu.memory_space<hbm>>)
    %dma_wait3A_158 = arith.constant 0 : i32
    %dma_wait3A_159 = arith.constant 1 : i32
    %dma_wait3A_160 = arith.constant 0 : i32
    %dma_wait3A_161 = arith.constant 0 : i32
    %dma_wait3A_162 = tpu.memref_slice %arg9[%dma_wait3A_161] : memref<2x!tpu.dma_semaphore, #tpu.memory_space<semaphore_mem>> -> memref<1x!tpu.dma_semaphore, #tpu.memory_space<semaphore_mem>>
    %dma_wait3A_163 = tpu.memref_squeeze %dma_wait3A_162 : memref<1x!tpu.dma_semaphore, #tpu.memory_space<semaphore_mem>> -> memref<!tpu.dma_semaphore, #tpu.memory_space<semaphore_mem>>
    %dma_wait3A_164 = arith.constant 0 : i32
    %dma_wait3A_165 = arith.constant 0 : i32
    %dma_wait3A_166 = tpu.memref_slice %arg3[%dma_wait3A_160, %dma_wait3A_164, %dma_wait3A_165] : memref<2560x64x256xf32, #tpu.memory_space<hbm>> -> memref<1x64x256xf32, #tpu.memory_space<hbm>>
    %dma_wait3A_167 = tpu.memref_squeeze %dma_wait3A_166 : memref<1x64x256xf32, #tpu.memory_space<hbm>> -> memref<64x256xf32, #tpu.memory_space<hbm>>
    %dma_wait3A_168 = arith.constant 0 : i32
    %dma_wait3A_169 = arith.constant 0 : i32
    %dma_wait3A_170 = arith.constant 0 : i32
    %dma_wait3A_171 = arith.constant 0 : i32
    %dma_wait3A_172 = tpu.memref_slice %arg5[%arg1, %dma_wait3A_168, %dma_wait3A_169, %dma_wait3A_170, %dma_wait3A_171] : memref<16x2x2x64x256xf32, #tpu.memory_space<vmem_shared>> -> memref<1x2x2x64x256xf32, #tpu.memory_space<vmem_shared>>
    %dma_wait3A_173 = tpu.memref_squeeze %dma_wait3A_172 : memref<1x2x2x64x256xf32, #tpu.memory_space<vmem_shared>> -> memref<2x2x64x256xf32, #tpu.memory_space<vmem_shared>>
    %dma_wait3A_174 = arith.constant 0 : i32
    %dma_wait3A_175 = arith.constant 0 : i32
    %dma_wait3A_176 = tpu.memref_slice %dma_wait3A_173[%dma_wait3A_158, %dma_wait3A_159, %dma_wait3A_174, %dma_wait3A_175] : memref<2x2x64x256xf32, #tpu.memory_space<vmem_shared>> -> memref<1x1x64x256xf32, #tpu.memory_space<vmem_shared>>
    %dma_wait3A_177 = tpu.memref_squeeze %dma_wait3A_176 : memref<1x1x64x256xf32, #tpu.memory_space<vmem_shared>> -> memref<64x256xf32, #tpu.memory_space<vmem_shared>>
    tpu.wait_dma2 semaphore(%dma_wait3A_163 : memref<!tpu.dma_semaphore, #tpu.memory_space<semaphore_mem>>) src(%dma_wait3A_177 : memref<64x256xf32, #tpu.memory_space<vmem_shared>>) dst(%dma_wait3A_167 : memref<64x256xf32, #tpu.memory_space<hbm>>)
    %dma_wait3A_178 = arith.constant 1 : i32
    %dma_wait3A_179 = arith.constant 1 : i32
    %dma_wait3A_180 = arith.constant 0 : i32
    %dma_wait3A_181 = arith.constant 0 : i32
    %dma_wait3A_182 = arith.constant 0 : i32
    %dma_wait3A_183 = tpu.memref_slice %arg4[%dma_wait3A_178, %dma_wait3A_180, %dma_wait3A_181, %dma_wait3A_182] : memref<2x2x64x256xf32, #tpu.memory_space<vmem>> -> memref<1x2x64x256xf32, #tpu.memory_space<vmem>>
    %dma_wait3A_184 = tpu.memref_squeeze %dma_wait3A_183 : memref<1x2x64x256xf32, #tpu.memory_space<vmem>> -> memref<2x64x256xf32, #tpu.memory_space<vmem>>
    %dma_wait3A_185 = arith.constant 0 : i32
    %dma_wait3A_186 = arith.constant 0 : i32
    %dma_wait3A_187 = arith.constant 0 : i32
    %dma_wait3A_188 = tpu.memref_slice %arg3[%dma_wait3A_185, %dma_wait3A_186, %dma_wait3A_187] : memref<2560x64x256xf32, #tpu.memory_space<hbm>> -> memref<2x64x256xf32, #tpu.memory_space<hbm>>
    %dma_wait3A_189 = tpu.memref_slice %arg7[%dma_wait3A_179] : memref<2x!tpu.dma_semaphore, #tpu.memory_space<semaphore_mem>> -> memref<1x!tpu.dma_semaphore, #tpu.memory_space<semaphore_mem>>
    %dma_wait3A_190 = tpu.memref_squeeze %dma_wait3A_189 : memref<1x!tpu.dma_semaphore, #tpu.memory_space<semaphore_mem>> -> memref<!tpu.dma_semaphore, #tpu.memory_space<semaphore_mem>>
    %dma_wait3A_191 = arith.constant 0 : i32
    %dma_wait3A_192 = arith.constant 0 : i32
    %dma_wait3A_193 = arith.constant 0 : i32
    %dma_wait3A_194 = tpu.memref_slice %arg3[%dma_wait3A_191, %dma_wait3A_192, %dma_wait3A_193] : memref<2560x64x256xf32, #tpu.memory_space<hbm>> -> memref<2x64x256xf32, #tpu.memory_space<hbm>>
    %dma_wait3A_195 = arith.constant 0 : i32
    %dma_wait3A_196 = arith.constant 0 : i32
    %dma_wait3A_197 = arith.constant 0 : i32
    %dma_wait3A_198 = tpu.memref_slice %arg4[%dma_wait3A_178, %dma_wait3A_195, %dma_wait3A_196, %dma_wait3A_197] : memref<2x2x64x256xf32, #tpu.memory_space<vmem>> -> memref<1x2x64x256xf32, #tpu.memory_space<vmem>>
    %dma_wait3A_199 = tpu.memref_squeeze %dma_wait3A_198 : memref<1x2x64x256xf32, #tpu.memory_space<vmem>> -> memref<2x64x256xf32, #tpu.memory_space<vmem>>
    tpu.wait_dma2 semaphore(%dma_wait3A_190 : memref<!tpu.dma_semaphore, #tpu.memory_space<semaphore_mem>>) src(%dma_wait3A_199 : memref<2x64x256xf32, #tpu.memory_space<vmem>>) dst(%dma_wait3A_194 : memref<2x64x256xf32, #tpu.memory_space<hbm>>)
    %dma_wait3A_200 = arith.constant 1 : i32
    %dma_wait3A_201 = arith.constant 0 : i32
    %dma_wait3A_202 = arith.constant 0 : i32
    %dma_wait3A_203 = arith.constant 1 : i32
    %dma_wait3A_204 = arith.constant 0 : i32
    %dma_wait3A_205 = arith.constant 0 : i32
    %dma_wait3A_206 = tpu.memref_slice %arg4[%dma_wait3A_200, %dma_wait3A_201, %dma_wait3A_204, %dma_wait3A_205] : memref<2x2x64x256xf32, #tpu.memory_space<vmem>> -> memref<1x1x64x256xf32, #tpu.memory_space<vmem>>
    %dma_wait3A_207 = tpu.memref_squeeze %dma_wait3A_206 : memref<1x1x64x256xf32, #tpu.memory_space<vmem>> -> memref<64x256xf32, #tpu.memory_space<vmem>>
    %dma_wait3A_208 = arith.constant 0 : i32
    %dma_wait3A_209 = arith.constant 0 : i32
    %dma_wait3A_210 = tpu.memref_slice %arg3[%dma_wait3A_202, %dma_wait3A_208, %dma_wait3A_209] : memref<2560x64x256xf32, #tpu.memory_space<hbm>> -> memref<1x64x256xf32, #tpu.memory_space<hbm>>
    %dma_wait3A_211 = tpu.memref_squeeze %dma_wait3A_210 : memref<1x64x256xf32, #tpu.memory_space<hbm>> -> memref<64x256xf32, #tpu.memory_space<hbm>>
    %dma_wait3A_212 = tpu.memref_slice %arg7[%dma_wait3A_203] : memref<2x!tpu.dma_semaphore, #tpu.memory_space<semaphore_mem>> -> memref<1x!tpu.dma_semaphore, #tpu.memory_space<semaphore_mem>>
    %dma_wait3A_213 = tpu.memref_squeeze %dma_wait3A_212 : memref<1x!tpu.dma_semaphore, #tpu.memory_space<semaphore_mem>> -> memref<!tpu.dma_semaphore, #tpu.memory_space<semaphore_mem>>
    %dma_wait3A_214 = arith.constant 0 : i32
    %dma_wait3A_215 = arith.constant 0 : i32
    %dma_wait3A_216 = tpu.memref_slice %arg3[%dma_wait3A_202, %dma_wait3A_214, %dma_wait3A_215] : memref<2560x64x256xf32, #tpu.memory_space<hbm>> -> memref<1x64x256xf32, #tpu.memory_space<hbm>>
    %dma_wait3A_217 = tpu.memref_squeeze %dma_wait3A_216 : memref<1x64x256xf32, #tpu.memory_space<hbm>> -> memref<64x256xf32, #tpu.memory_space<hbm>>
    %dma_wait3A_218 = arith.constant 0 : i32
    %dma_wait3A_219 = arith.constant 0 : i32
    %dma_wait3A_220 = tpu.memref_slice %arg4[%dma_wait3A_200, %dma_wait3A_201, %dma_wait3A_218, %dma_wait3A_219] : memref<2x2x64x256xf32, #tpu.memory_space<vmem>> -> memref<1x1x64x256xf32, #tpu.memory_space<vmem>>
    %dma_wait3A_221 = tpu.memref_squeeze %dma_wait3A_220 : memref<1x1x64x256xf32, #tpu.memory_space<vmem>> -> memref<64x256xf32, #tpu.memory_space<vmem>>
    tpu.wait_dma2 semaphore(%dma_wait3A_213 : memref<!tpu.dma_semaphore, #tpu.memory_space<semaphore_mem>>) src(%dma_wait3A_221 : memref<64x256xf32, #tpu.memory_space<vmem>>) dst(%dma_wait3A_217 : memref<64x256xf32, #tpu.memory_space<hbm>>)
    %dma_wait3A_222 = arith.constant 1 : i32
    %dma_wait3A_223 = arith.constant 1 : i32
    %dma_wait3A_224 = arith.constant 0 : i32
    %dma_wait3A_225 = arith.constant 1 : i32
    %dma_wait3A_226 = arith.constant 0 : i32
    %dma_wait3A_227 = arith.constant 0 : i32
    %dma_wait3A_228 = tpu.memref_slice %arg4[%dma_wait3A_222, %dma_wait3A_223, %dma_wait3A_226, %dma_wait3A_227] : memref<2x2x64x256xf32, #tpu.memory_space<vmem>> -> memref<1x1x64x256xf32, #tpu.memory_space<vmem>>
    %dma_wait3A_229 = tpu.memref_squeeze %dma_wait3A_228 : memref<1x1x64x256xf32, #tpu.memory_space<vmem>> -> memref<64x256xf32, #tpu.memory_space<vmem>>
    %dma_wait3A_230 = arith.constant 0 : i32
    %dma_wait3A_231 = arith.constant 0 : i32
    %dma_wait3A_232 = tpu.memref_slice %arg3[%dma_wait3A_224, %dma_wait3A_230, %dma_wait3A_231] : memref<2560x64x256xf32, #tpu.memory_space<hbm>> -> memref<1x64x256xf32, #tpu.memory_space<hbm>>
    %dma_wait3A_233 = tpu.memref_squeeze %dma_wait3A_232 : memref<1x64x256xf32, #tpu.memory_space<hbm>> -> memref<64x256xf32, #tpu.memory_space<hbm>>
    %dma_wait3A_234 = tpu.memref_slice %arg7[%dma_wait3A_225] : memref<2x!tpu.dma_semaphore, #tpu.memory_space<semaphore_mem>> -> memref<1x!tpu.dma_semaphore, #tpu.memory_space<semaphore_mem>>
    %dma_wait3A_235 = tpu.memref_squeeze %dma_wait3A_234 : memref<1x!tpu.dma_semaphore, #tpu.memory_space<semaphore_mem>> -> memref<!tpu.dma_semaphore, #tpu.memory_space<semaphore_mem>>
    %dma_wait3A_236 = arith.constant 0 : i32
    %dma_wait3A_237 = arith.constant 0 : i32
    %dma_wait3A_238 = tpu.memref_slice %arg3[%dma_wait3A_224, %dma_wait3A_236, %dma_wait3A_237] : memref<2560x64x256xf32, #tpu.memory_space<hbm>> -> memref<1x64x256xf32, #tpu.memory_space<hbm>>
    %dma_wait3A_239 = tpu.memref_squeeze %dma_wait3A_238 : memref<1x64x256xf32, #tpu.memory_space<hbm>> -> memref<64x256xf32, #tpu.memory_space<hbm>>
    %dma_wait3A_240 = arith.constant 0 : i32
    %dma_wait3A_241 = arith.constant 0 : i32
    %dma_wait3A_242 = tpu.memref_slice %arg4[%dma_wait3A_222, %dma_wait3A_223, %dma_wait3A_240, %dma_wait3A_241] : memref<2x2x64x256xf32, #tpu.memory_space<vmem>> -> memref<1x1x64x256xf32, #tpu.memory_space<vmem>>
    %dma_wait3A_243 = tpu.memref_squeeze %dma_wait3A_242 : memref<1x1x64x256xf32, #tpu.memory_space<vmem>> -> memref<64x256xf32, #tpu.memory_space<vmem>>
    tpu.wait_dma2 semaphore(%dma_wait3A_235 : memref<!tpu.dma_semaphore, #tpu.memory_space<semaphore_mem>>) src(%dma_wait3A_243 : memref<64x256xf32, #tpu.memory_space<vmem>>) dst(%dma_wait3A_239 : memref<64x256xf32, #tpu.memory_space<hbm>>)
    %dma_wait3A_244 = arith.constant 1 : i32
    %dma_wait3A_245 = arith.constant 1 : i32
    %dma_wait3A_246 = tpu.memref_slice %arg9[%dma_wait3A_245] : memref<2x!tpu.dma_semaphore, #tpu.memory_space<semaphore_mem>> -> memref<1x!tpu.dma_semaphore, #tpu.memory_space<semaphore_mem>>
    %dma_wait3A_247 = tpu.memref_squeeze %dma_wait3A_246 : memref<1x!tpu.dma_semaphore, #tpu.memory_space<semaphore_mem>> -> memref<!tpu.dma_semaphore, #tpu.memory_space<semaphore_mem>>
    %dma_wait3A_248 = arith.constant 0 : i32
    %dma_wait3A_249 = arith.constant 0 : i32
    %dma_wait3A_250 = arith.constant 0 : i32
    %dma_wait3A_251 = tpu.memref_slice %arg3[%dma_wait3A_248, %dma_wait3A_249, %dma_wait3A_250] : memref<2560x64x256xf32, #tpu.memory_space<hbm>> -> memref<2x64x256xf32, #tpu.memory_space<hbm>>
    %dma_wait3A_252 = arith.constant 0 : i32
    %dma_wait3A_253 = arith.constant 0 : i32
    %dma_wait3A_254 = arith.constant 0 : i32
    %dma_wait3A_255 = arith.constant 0 : i32
    %dma_wait3A_256 = tpu.memref_slice %arg5[%arg1, %dma_wait3A_252, %dma_wait3A_253, %dma_wait3A_254, %dma_wait3A_255] : memref<16x2x2x64x256xf32, #tpu.memory_space<vmem_shared>> -> memref<1x2x2x64x256xf32, #tpu.memory_space<vmem_shared>>
    %dma_wait3A_257 = tpu.memref_squeeze %dma_wait3A_256 : memref<1x2x2x64x256xf32, #tpu.memory_space<vmem_shared>> -> memref<2x2x64x256xf32, #tpu.memory_space<vmem_shared>>
    %dma_wait3A_258 = arith.constant 0 : i32
    %dma_wait3A_259 = arith.constant 0 : i32
    %dma_wait3A_260 = arith.constant 0 : i32
    %dma_wait3A_261 = tpu.memref_slice %dma_wait3A_257[%dma_wait3A_244, %dma_wait3A_258, %dma_wait3A_259, %dma_wait3A_260] : memref<2x2x64x256xf32, #tpu.memory_space<vmem_shared>> -> memref<1x2x64x256xf32, #tpu.memory_space<vmem_shared>>
    %dma_wait3A_262 = tpu.memref_squeeze %dma_wait3A_261 : memref<1x2x64x256xf32, #tpu.memory_space<vmem_shared>> -> memref<2x64x256xf32, #tpu.memory_space<vmem_shared>>
    tpu.wait_dma2 semaphore(%dma_wait3A_247 : memref<!tpu.dma_semaphore, #tpu.memory_space<semaphore_mem>>) src(%dma_wait3A_262 : memref<2x64x256xf32, #tpu.memory_space<vmem_shared>>) dst(%dma_wait3A_251 : memref<2x64x256xf32, #tpu.memory_space<hbm>>)
    %dma_wait3A_263 = arith.constant 1 : i32
    %dma_wait3A_264 = arith.constant 0 : i32
    %dma_wait3A_265 = arith.constant 0 : i32
    %dma_wait3A_266 = arith.constant 1 : i32
    %dma_wait3A_267 = tpu.memref_slice %arg9[%dma_wait3A_266] : memref<2x!tpu.dma_semaphore, #tpu.memory_space<semaphore_mem>> -> memref<1x!tpu.dma_semaphore, #tpu.memory_space<semaphore_mem>>
    %dma_wait3A_268 = tpu.memref_squeeze %dma_wait3A_267 : memref<1x!tpu.dma_semaphore, #tpu.memory_space<semaphore_mem>> -> memref<!tpu.dma_semaphore, #tpu.memory_space<semaphore_mem>>
    %dma_wait3A_269 = arith.constant 0 : i32
    %dma_wait3A_270 = arith.constant 0 : i32
    %dma_wait3A_271 = tpu.memref_slice %arg3[%dma_wait3A_265, %dma_wait3A_269, %dma_wait3A_270] : memref<2560x64x256xf32, #tpu.memory_space<hbm>> -> memref<1x64x256xf32, #tpu.memory_space<hbm>>
    %dma_wait3A_272 = tpu.memref_squeeze %dma_wait3A_271 : memref<1x64x256xf32, #tpu.memory_space<hbm>> -> memref<64x256xf32, #tpu.memory_space<hbm>>
    %dma_wait3A_273 = arith.constant 0 : i32
    %dma_wait3A_274 = arith.constant 0 : i32
    %dma_wait3A_275 = arith.constant 0 : i32
    %dma_wait3A_276 = arith.constant 0 : i32
    %dma_wait3A_277 = tpu.memref_slice %arg5[%arg1, %dma_wait3A_273, %dma_wait3A_274, %dma_wait3A_275, %dma_wait3A_276] : memref<16x2x2x64x256xf32, #tpu.memory_space<vmem_shared>> -> memref<1x2x2x64x256xf32, #tpu.memory_space<vmem_shared>>
    %dma_wait3A_278 = tpu.memref_squeeze %dma_wait3A_277 : memref<1x2x2x64x256xf32, #tpu.memory_space<vmem_shared>> -> memref<2x2x64x256xf32, #tpu.memory_space<vmem_shared>>
    %dma_wait3A_279 = arith.constant 0 : i32
    %dma_wait3A_280 = arith.constant 0 : i32
    %dma_wait3A_281 = tpu.memref_slice %dma_wait3A_278[%dma_wait3A_263, %dma_wait3A_264, %dma_wait3A_279, %dma_wait3A_280] : memref<2x2x64x256xf32, #tpu.memory_space<vmem_shared>> -> memref<1x1x64x256xf32, #tpu.memory_space<vmem_shared>>
    %dma_wait3A_282 = tpu.memref_squeeze %dma_wait3A_281 : memref<1x1x64x256xf32, #tpu.memory_space<vmem_shared>> -> memref<64x256xf32, #tpu.memory_space<vmem_shared>>
    tpu.wait_dma2 semaphore(%dma_wait3A_268 : memref<!tpu.dma_semaphore, #tpu.memory_space<semaphore_mem>>) src(%dma_wait3A_282 : memref<64x256xf32, #tpu.memory_space<vmem_shared>>) dst(%dma_wait3A_272 : memref<64x256xf32, #tpu.memory_space<hbm>>)
    %dma_wait3A_283 = arith.constant 1 : i32
    %dma_wait3A_284 = arith.constant 1 : i32
    %dma_wait3A_285 = arith.constant 0 : i32
    %dma_wait3A_286 = arith.constant 1 : i32
    %dma_wait3A_287 = tpu.memref_slice %arg9[%dma_wait3A_286] : memref<2x!tpu.dma_semaphore, #tpu.memory_space<semaphore_mem>> -> memref<1x!tpu.dma_semaphore, #tpu.memory_space<semaphore_mem>>
    %dma_wait3A_288 = tpu.memref_squeeze %dma_wait3A_287 : memref<1x!tpu.dma_semaphore, #tpu.memory_space<semaphore_mem>> -> memref<!tpu.dma_semaphore, #tpu.memory_space<semaphore_mem>>
    %dma_wait3A_289 = arith.constant 0 : i32
    %dma_wait3A_290 = arith.constant 0 : i32
    %dma_wait3A_291 = tpu.memref_slice %arg3[%dma_wait3A_285, %dma_wait3A_289, %dma_wait3A_290] : memref<2560x64x256xf32, #tpu.memory_space<hbm>> -> memref<1x64x256xf32, #tpu.memory_space<hbm>>
    %dma_wait3A_292 = tpu.memref_squeeze %dma_wait3A_291 : memref<1x64x256xf32, #tpu.memory_space<hbm>> -> memref<64x256xf32, #tpu.memory_space<hbm>>
    %dma_wait3A_293 = arith.constant 0 : i32
    %dma_wait3A_294 = arith.constant 0 : i32
    %dma_wait3A_295 = arith.constant 0 : i32
    %dma_wait3A_296 = arith.constant 0 : i32
    %dma_wait3A_297 = tpu.memref_slice %arg5[%arg1, %dma_wait3A_293, %dma_wait3A_294, %dma_wait3A_295, %dma_wait3A_296] : memref<16x2x2x64x256xf32, #tpu.memory_space<vmem_shared>> -> memref<1x2x2x64x256xf32, #tpu.memory_space<vmem_shared>>
    %dma_wait3A_298 = tpu.memref_squeeze %dma_wait3A_297 : memref<1x2x2x64x256xf32, #tpu.memory_space<vmem_shared>> -> memref<2x2x64x256xf32, #tpu.memory_space<vmem_shared>>
    %dma_wait3A_299 = arith.constant 0 : i32
    %dma_wait3A_300 = arith.constant 0 : i32
    %dma_wait3A_301 = tpu.memref_slice %dma_wait3A_298[%dma_wait3A_283, %dma_wait3A_284, %dma_wait3A_299, %dma_wait3A_300] : memref<2x2x64x256xf32, #tpu.memory_space<vmem_shared>> -> memref<1x1x64x256xf32, #tpu.memory_space<vmem_shared>>
    %dma_wait3A_302 = tpu.memref_squeeze %dma_wait3A_301 : memref<1x1x64x256xf32, #tpu.memory_space<vmem_shared>> -> memref<64x256xf32, #tpu.memory_space<vmem_shared>>
    tpu.wait_dma2 semaphore(%dma_wait3A_288 : memref<!tpu.dma_semaphore, #tpu.memory_space<semaphore_mem>>) src(%dma_wait3A_302 : memref<64x256xf32, #tpu.memory_space<vmem_shared>>) dst(%dma_wait3A_292 : memref<64x256xf32, #tpu.memory_space<hbm>>)
    return
  }
}

</mosaic_0001>

<sc_bundles>
// kernel: kernel.3.cloned.1.call-start
scs
__scs_entry_jumppad:
0x0: {  	(pc) =	sbr.rel $0x88, $3  }
0x1: {  	(tag) =	ssettag $0x0;
	lr =	simm.s32 $0x1  }
0x2: {  	[smem:$0x3FA0] =	sst lr;
	_ =	strace $0xD0000000  }
0x3: {  	_ = 	snop  }
0x4: {  	_ = 	snop  }
0x5: {  	_ = 	snop  }
0x6: {  	_ = 	snop  }
0x7: {  	_ = 	snop  }
__scs_overlays_trampoline_lowered:
0x8: {  	[smem:$0x3FAF] =	sst s0  }
0x9: {  	[smem:$0x3FB0] =	sst s1  }
0xa: {  	[smem:$0x3FB1] =	sst s2  }
0xb: {  	[smem:$0x3FB2] =	sst s3  }
0xc: {  	[smem:$0x3FB3] =	sst s4  }
0xd: {  	[smem:$0x3FB4] =	sst s5  }
0xe: {  	[smem:$0x3FB5] =	sst s6  }
0xf: {  	[smem:$0x3FB6] =	sst s7  }
0x10: {  	[smem:$0x3FB7] =	sst s8  }
0x11: {  	[smem:$0x3FB8] =	sst s9;
	s0 =	simm.s32 @!p0 $0x0  }
0x12: {  	s1 =	sld [smem:$0x3F9E];
	s0 =	simm.s32 @p0 $0x1  }
0x13: {  	[smem:$0x3FB9] =	sst s0;
	s0 =	simm.s32 @!p1 $0x0  }
0x14: {  	s2 =	sld [smem:$0x3F9D];
	s0 =	simm.s32 @p1 $0x1  }
0x15: {  	[smem:$0x3FBA] =	sst s0;
	s0 =	simm.s32 @!p2 $0x0  }
0x16: {  	s3 =	sld [smem:$0x3FDB];
	s0 =	simm.s32 @p2 $0x1  }
0x17: {  	s4 =	simm.s32 $0x1BF5;
	[smem:$0x3FBC] =	sst s0  }
0x18: {  	s0 =	sld [smem:$0x3F9F];
	_ =	swait.ge [sflag:s4], $0x0  }
0x19: {  	s7 =	sld [smem:$0x3FA0]  }
0x1a: {  	s8 =	sadd.s32 $0xFFFFE003, lr  }
0x1b: {  	s9 =	sadd.s32 $0xFFFFFEF7, lr;
	s5 =	simm.s32 $0xFFFFFFFF;
	p2 =	slt.u32 s8, $0xFFFFF086  }
0x1c: {  	p1 =	slt.u32 s9, $0xF7A;
	s5 =	simm.s32 @!p2 $0x0  }
0x1d: {  	s5 =	simm.s32 @p1 $0x1;
	p0 =	seq.s32 s7, s2  }
0x1e: {  	s7 =	smul.u32 @!p0 $0xF7A, s2;
	p2 =	seq.s32 @!p0 s5, $0x0  }
0x1f: {  	s9 =	smul.u32 $0xF7A, s1;
	s8 =	simm.s32 @!p0 $0x1BF5;
	p2 =	por !p2, p0  }
0x20: {  	[sflag:s8] =	ssyncset.s32 @!p0 $0xFFFFF086;
	s6 =	sadd.s32 @!p0 s3, s7;
	s7 =	simm.s32 @!p0 $0x108  }
0x21: {  	s3 =	sadd.s32 s3, s9;
	s6 =	sadd.s32 @!p0 $0x88, s6;
	s7 =	simm.s32 @p2 $0x1082  }
0x22: {  	[simem:s7], [sflag:s8] =	dma.local @!p0 [hbm:s6], $0xF7A  }
0x23: {  	s9 =	sor.u32 $0xD0000000, s2;
	s6 =	simm.s32 $0x108;
	_ =	swait.ge @!p0 [sflag:s8], $0x0  }
0x24: {  	s3 =	sadd.s32 $0x88, s3;
	s6 =	simm.s32 @!p1 $0x1082;
	[sflag:s4] =	ssyncset.s32 $0xFFFFF086  }
0x25: {  	[simem:s6], [sflag:s4] =	dma.local [hbm:s3], $0xF7A  }
0x26: {  	[smem:$0x3FA0] =	sst s1;
	(tag) =	ssettag s2;
	_ =	strace s9  }
0x27: {  	s1 =	sld [smem:$0x3FB0]  }
0x28: {  	s2 =	sld [smem:$0x3FB1]  }
0x29: {  	s4 =	sld [smem:$0x3FB3]  }
0x2a: {  	p0 =	seq.s32 s5, $0x0;
	s5 =	sld [smem:$0x3FB4]  }
0x2b: {  	s6 =	sld [smem:$0x3FB5]  }
0x2c: {  	s7 =	sld [smem:$0x3FB6]  }
0x2d: {  	s3 =	simm.s32 $0x108;
	s8 =	sld [smem:$0x3FB7]  }
0x2e: {  	s3 =	simm.s32 @!p0 $0x1082;
	s9 =	sld [smem:$0x3FB8]  }
0x2f: {  	lr =	sadd.s32 s0, s3;
	s0 =	sld [smem:$0x3FAF]  }
0x30: {  	s3 =	sld [smem:$0x3FB2]  }
0x31: {  	[smem:$0x3FBB] =	sst s10  }
0x32: {  	s10 =	sld [smem:$0x3FB9];
	_ =	sdelay $0x3  }
0x33: {  	p0 =	seq.s32 s10, $0x1;
	s10 =	sld [smem:$0x3FBB];
	_ =	sdelay $0x3  }
0x34: {  	[smem:$0x3FBB] =	sst s10  }
0x35: {  	s10 =	sld [smem:$0x3FBA];
	_ =	sdelay $0x3  }
0x36: {  	p1 =	seq.s32 s10, $0x1;
	s10 =	sld [smem:$0x3FBB];
	_ =	sdelay $0x3  }
0x37: {  	[smem:$0x3FBB] =	sst s10  }
0x38: {  	s10 =	sld [smem:$0x3FBC]  }
0x39: {  	_ = 	snop;
	(pc) =	sbr.ind lr, $3  }
0x3a: {  	_ = 	snop  }
0x3b: {  	_ = 	snop  }
0x3c: {  	p2 =	seq.s32 s10, $0x1;
	s10 =	sld [smem:$0x3FBB]  }
0x3d: {  	_ =	shalt  }
0x3e: {  	_ =	shalt  }
0x3f: {  	_ =	shalt  }
0x40: {  	_ =	shalt  }
0x41: {  	_ =	shalt  }
0x42: {  	_ =	shalt  }
0x43: {  	_ =	shalt  }
0x44: {  	_ =	shalt  }
0x45: {  	_ =	shalt  }
0x46: {  	_ =	shalt  }
0x47: {  	_ =	shalt  }
0x48: {  	_ =	shalt  }
0x49: {  	_ =	shalt  }
0x4a: {  	_ =	shalt  }
0x4b: {  	_ =	shalt  }
0x4c: {  	_ =	shalt  }
0x4d: {  	_ =	shalt  }
0x4e: {  	_ =	shalt  }
0x4f: {  	_ =	shalt  }
0x50: {  	_ =	shalt  }
0x51: {  	_ =	shalt  }
0x52: {  	_ =	shalt  }
0x53: {  	_ =	shalt  }
0x54: {  	_ =	shalt  }
0x55: {  	_ =	shalt  }
0x56: {  	_ =	shalt  }
0x57: {  	_ =	shalt  }
0x58: {  	_ =	shalt  }
0x59: {  	_ =	shalt  }
0x5a: {  	_ =	shalt  }
0x5b: {  	_ =	shalt  }
0x5c: {  	_ =	shalt  }
0x5d: {  	_ =	shalt  }
0x5e: {  	_ =	shalt  }
0x5f: {  	_ =	shalt  }
0x60: {  	_ =	shalt  }
0x61: {  	_ =	shalt  }
0x62: {  	_ =	shalt  }
0x63: {  	_ =	shalt  }
0x64: {  	_ =	shalt  }
0x65: {  	_ =	shalt  }
0x66: {  	_ =	shalt  }
0x67: {  	_ =	shalt  }
0x68: {  	_ =	shalt  }
0x69: {  	_ =	shalt  }
0x6a: {  	_ =	shalt  }
0x6b: {  	_ =	shalt  }
0x6c: {  	_ =	shalt  }
0x6d: {  	_ =	shalt  }
0x6e: {  	_ =	shalt  }
0x6f: {  	_ =	shalt  }
0x70: {  	_ =	shalt  }
0x71: {  	_ =	shalt  }
0x72: {  	_ =	shalt  }
0x73: {  	_ =	shalt  }
0x74: {  	_ =	shalt  }
0x75: {  	_ =	shalt  }
0x76: {  	_ =	shalt  }
0x77: {  	_ =	shalt  }
0x78: {  	_ =	shalt  }
0x79: {  	_ =	shalt  }
0x7a: {  	_ =	shalt  }
0x7b: {  	_ =	shalt  }
0x7c: {  	_ =	shalt  }
0x7d: {  	_ =	shalt  }
0x7e: {  	_ =	shalt  }
0x7f: {  	_ =	shalt  }
0x80: {  	_ =	shalt  }
0x81: {  	_ =	shalt  }
0x82: {  	_ =	shalt  }
0x83: {  	_ =	shalt  }
0x84: {  	_ =	shalt  }
0x85: {  	_ =	shalt  }
0x86: {  	_ =	shalt  }
0x87: {  	_ =	shalt  }
.Lfunc_end0:
.L_simem_size_0:
called_computation_lowered:
.L_overlay_start_0:
0x88: {  	s2 =	sld [smem:$0x3FD9]  }
0x89: {  	s3 =	sld [smem:$0x3FFE];
	_ =	sdelay $0x1  }
0x8a: {  	s1 =	srdreg.scid  }
0x8b: {  	s0 =	sand.u32 $0x1, s1  }
0x8c: {  	s18 =	sshll.u32 s0, $0xA;
	s2 =	sadd.s32 s3, s2  }
0x8d: {  	s2 =	sadd.s32 s2, s18  }
0x8e: {  	[smem:$0x3FC7] =	sst s2  }
0x8f: {  	_ = 	snop  }
0x90: {  	s2 =	sld [smem:$0x3FC9]  }
0x91: {  	s19 =	sld [smem:$0x3FD0];
	(tm) =	ssettm $0x1  }
0x92: {  	s4 =	sld [smem:$0x3FFB];
	_ =	sdelay $0x3  }
0x93: {  	_ =	strace s4  }
0x94: {  	s4 =	sld [smem:$0x3FFC];
	_ =	sdelay $0x3  }
0x95: {  	_ =	strace s4  }
0x96: {  	s4 =	sld [smem:$0x3FFD];
	_ =	sdelay $0x3  }
0x97: {  	_ =	strace s4  }
0x98: {  	_ =	strace $0x8FFFFFFF  }
0x99: {  	s20 =	sld [smem:$0x3FDB];
	_ =	sdelay $0x1  }
0x9a: {  	s5 =	simm.s32 $_scs_section_size  }
0x9b: {  	s6 =	simm.s32 $_size__tile_overlayer_lowered;
	s7 =	simm.s32 $_tile_overlayer_lowered  }
0x9c: {  	s23 =	simm.s32 $0x1BFF;
	s22 =	sshll.u32 s7, $0x1;
	s4 =	sadd.s32 s5, s20  }
0x9d: {  	s8 =	simm.s32 $0x0;
	s21 =	sshll.u32 s6, $0x1;
	s6 =	sadd.s32 s22, s4  }
0x9e: {  	[timem:s8], [sflag:s23] =	dma.local [hbm:s6], s21  }
0x9f: {  	_ =	swait.ge [sflag:s23], s21  }
0xa0: {  	s5 =	ssub.s32 $0x0, s21;
	[sflag:s23] =	ssyncset.done $0x0  }
0xa1: {  	[sflag:s23] =	ssyncadd.s32 s5;
	_ =	sdelay $0x1  }
0xa2: {  	s24 =	simm.s32 $0x1B8B  }
0xa3: {  	_ =	swait.ge [sflag:s24], $0x1  }
0xa4: {  	[sflag:s24] =	ssyncset.done $0x0  }
0xa5: {  	s25 =	simm.s32 $0x1B8E;
	[sflag:s24] =	ssyncadd.s32 $0xFFFFFFFF  }
0xa6: {  	s26 =	simm.s32 $execute0_lowered;
	[smem:$0x3FD2] =	sst s25  }
0xa7: {  	s5 =	sshll.u32 s26, $0x1;
	_ =	strace $0x80000046;
	[dreg:$0x1] =	wrdreg $0xFFFFFFFF  }
0xa8: {  	s28 =	simm.s32 $_size_execute0_lowered;
	s4 =	sadd.s32 s4, s5;
	[dreg:$0x0] =	wrdreg $0x0  }
0xa9: {  	s5 =	sshll.u32 s28, $0x1;
	[dreg:$0x2] =	wrdreg s4  }
0xaa: {  	[dreg:$0x3] =	wrdreg s5  }
0xab: {  	[dreg:$0x4] =	wrdreg $0xC0  }
0xac: {  	_ =	task [dreg:s8], $0x5FFFF  }
0xad: {  	[dreg:$0x1] =	wrdreg $0xFFFFFFFF  }
0xae: {  	[dreg:$0x0] =	wrdreg $0x60  }
0xaf: {  	[dreg:$0x2] =	wrdreg s2  }
0xb0: {  	[dreg:$0x3] =	wrdreg s19  }
0xb1: {  	[dreg:$0x4] =	wrdreg $0x100000  }
0xb2: {  	[dreg:$0x5] =	wrdreg $0x9  }
0xb3: {  	_ =	task.clear_ibuf [dreg:s8], $0x6FFFF;
	_ =	strace $0x90000046  }
0xb4: {  	s29 =	simm.s32 $0x9;
	_ =	strace $0x80000048  }
0xb5: {  	_ =	swait.ge [sflag:s29], $0x1  }
0xb6: {  	[sflag:s29] =	ssyncadd.s32 $0xFFFFFFFF  }
0xb7: {  	_ =	strace $0x90000048  }
0xb8: {  	_ =	sfence  }
0xb9: {  	s30 =	sld [smem:$0x0];
	_ =	sdelay $0x2  }
0xba: {  	s31 =	sshll.u32 s1, $0xD;
	s1 =	sshrl.u32 s1, $0x2  }
0xbb: {  	s3 =	sand.u32 $0x4000, s31;
	s1 =	sadd.s32 s1, s30  }
0xbc: {  	s0 =	sor.u32 s3, s0;
	s1 =	sshll.u32 s1, $0x11  }
0xbd: {  	s0 =	sor.u32 s1, s0  }
0xbe: {  	s0 =	sadd.s32 $0x8F2B, s0  }
0xbf: {  	[sflag:s0] =	ssyncadd.remote.s32 $0x1  }
0xc0: {  	_ =	sfence.sel $0xFFFF  }
0xc1: {  	[dreg:$0x0] =	wrdreg $0xFFFFFFFF;
	(pc) =	sbr.abs _section_cstart, $3  }
0xc2: {  	[dreg:$0x1] =	wrdreg $0xFFFFFFFF  }
0xc3: {  	_ =	task.clear_ibuf [dreg:s8], $0x2FFFF;
	_ =	strace $0x9FFFFFFF  }
0xc4: {  	(tm) =	ssettm $0x7FFFFFFF  }
0xc5: {  	_ =	shalt  }
tec
execute0_lowered:
.L_overlay_start_1:
0x0: {  	(tag) =	ssettag $0x1  }
0x1: {  	s7 =	rddreg [dreg:$0x0]  }
0x2: {  	s8 =	rddreg [dreg:$0x1]  }
0x3: {  	s4 =	rddreg [dreg:$0x2];
	s2 =	srdreg.scid  }
0x4: {  	s1 =	stileid.u32;
	s0 =	rddreg [dreg:$0x3]  }
0x5: {  	s15 =	simm.s32 $0x8;
	s16 =	simm.s32 $0x0;
	s9 =	sand.u32 $0x1, s2  }
0x6: {  	s3 =	sshll.u32 s1, $0x1;
	s2 =	simm.s32 $0x0;
	s11 =	smul.u32 $0x28000, s1  }
0x7: {  	s29 =	sshll.u32 s1, $0x10;
	s13 =	smul.u32 $0x50000, s1;
	s5 =	ssub.s32 $0x2, s9  }
0x8: {  	s3 =	sor.u32 s9, s3;
	[smem:$0x7FF] =	sst s2;
	s12 =	smul.u32 $0x14000, s9  }
0x9: {  	s4 =	sadd.s32 s29, s4;
	s14 =	smul.u32 $0x28000, s9;
	s6 =	sshrl.u32 s5, $0x1  }
0xa: {  	s3 =	smul.u32 $0x14000, s3;
	_ =	strace $0x80000047;
	s11 =	sadd.s32 s11, s7  }
.Ltmp0:
0xb: {  	s31 =	sadd.s32 s13, s8;
	s13 =	simm.s32 $0x7;
	(pc) =	sbr.rel .LBB2_1-.Ltmp0, $4  }
0xc: {  	s10 =	ssub.s32 s5, s6;
	s6 =	sshll.u32 s1, $0x6;
	s30 =	sadd.s32 s12, s11  }
0xd: {  	s11 =	sshrl.u32 s4, $0x3;
	s12 =	simm.s32 $0x3;
	s3 =	sadd.s32 s7, s3  }
0xe: {  	s7 =	sor.u32 $0x1C05, s6;
	s8 =	smax.u32 s10, $0x1;
	s9 =	sadd.s32 $0x3000, s30  }
0xf: {  	s10 =	sadd.s32 s14, s31;
	s14 =	simm.s32 $0x4;
	s5 =	sadd.s32 $0x1000, s3  }
.LBB2_7:
0x10: {  	_ =	swait.ge [sflag:s12], $0x8000  }
0x11: {  	[sflag:s12] =	ssyncset.done $0x0  }
0x12: {  	[sflag:s12] =	ssyncadd.s32 $0xFFFF8000  }
0x13: {  	_ =	swait.ge [sflag:s12], $0x4000  }
0x14: {  	[sflag:s12] =	ssyncset.done $0x0  }
0x15: {  	[sflag:s12] =	ssyncadd.s32 $0xFFFFC000  }
0x16: {  	_ =	swait.ge [sflag:s12], $0x4000  }
0x17: {  	[sflag:s12] =	ssyncset.done $0x0  }
0x18: {  	[sflag:s12] =	ssyncadd.s32 $0xFFFFC000  }
0x19: {  	_ =	swait.ge [sflag:s13], $0x1000  }
0x1a: {  	[sflag:s13] =	ssyncset.done $0x0  }
0x1b: {  	[sflag:s13] =	ssyncadd.s32 $0xFFFFF000  }
0x1c: {  	_ =	swait.ge [sflag:s13], $0x800  }
0x1d: {  	[sflag:s13] =	ssyncset.done $0x0  }
0x1e: {  	[sflag:s13] =	ssyncadd.s32 $0xFFFFF800  }
0x1f: {  	_ =	swait.ge [sflag:s13], $0x800  }
0x20: {  	[sflag:s13] =	ssyncset.done $0x0  }
0x21: {  	[sflag:s13] =	ssyncadd.s32 $0xFFFFF800  }
0x22: {  	_ =	swait.ge [sflag:s14], $0x8000  }
0x23: {  	[sflag:s14] =	ssyncset.done $0x0  }
0x24: {  	[sflag:s14] =	ssyncadd.s32 $0xFFFF8000  }
0x25: {  	_ =	swait.ge [sflag:s14], $0x4000  }
0x26: {  	[sflag:s14] =	ssyncset.done $0x0  }
0x27: {  	[sflag:s14] =	ssyncadd.s32 $0xFFFFC000  }
0x28: {  	_ =	swait.ge [sflag:s14], $0x4000  }
0x29: {  	[sflag:s14] =	ssyncset.done $0x0  }
0x2a: {  	[sflag:s14] =	ssyncadd.s32 $0xFFFFC000  }
0x2b: {  	_ =	swait.ge [sflag:s15], $0x1000  }
0x2c: {  	[sflag:s15] =	ssyncset.done $0x0  }
0x2d: {  	s16 =	sadd.s32 $0x1, s16;
	[sflag:s15] =	ssyncadd.s32 $0xFFFFF000  }
0x2e: {  	p0 =	sne.s32 s16, s8;
	_ =	swait.ge [sflag:s15], $0x800  }
.Ltmp1:
0x2f: {  	[sflag:s15] =	ssyncset.done $0x0;
	(pc) =	sbr.rel @!p0 .LBB2_8-.Ltmp1, $4  }
0x30: {  	[sflag:s15] =	ssyncadd.s32 $0xFFFFF800  }
0x31: {  	_ =	swait.ge [sflag:s15], $0x800  }
0x32: {  	[sflag:s15] =	ssyncset.done $0x0  }
0x33: {  	[sflag:s15] =	ssyncadd.s32 $0xFFFFF800  }
.LBB2_1:
.Ltmp2:
0x34: {  	(pc) =	sbr.rel .LBB2_2-.Ltmp2, $4  }
0x35: {  	_ = 	snop  }
0x36: {  	[tilespmem:s2], [sflag:$0x1] =	stream.linear.gather [hbm4b:s3+s2], $0x8000, $0x38;
	v63 =	vld [tilespmem:$0x0]  }
0x37: {  	s17 =	simm.s32 $0x1;
	s18 =	smov.u32 s9;
	s19 =	simm.s32 $0x0  }
0x38: {  	[spmem:s11], [sflag:s7] =	dma.local [hbm:s5], $0x1000  }
.LBB2_5:
0x39: {  	s22 =	sshll.u32 s21, $0xF;
	s23 =	sadd.s32 $0x1, s21;
	s24 =	sadd.s32 $0xFFFFF000, s18  }
0x3a: {  	[tilespmem:s22], [sflag:s23] =	stream.linear.gather [hbm4b:s24+s2], $0x8000, $0x38;
	v63 =	vld [tilespmem:$0x0]  }
0x3b: {  	s31 =	sor.u32 s6, s21;
	s22 =	sadd.s32 s22, s4  }
0x3c: {  	s21 =	sadd.s32 $0x1C05, s31;
	s22 =	sshrl.u32 s22, $0x3  }
0x3d: {  	[spmem:s22], [sflag:s21] =	dma.local [hbm:s18], $0x1000  }
.LBB2_6:
0x3e: {  	s20 =	sand.u32 $0x1, s20;
	s23 =	sadd.s32 s19, s10  }
0x3f: {  	s19 =	sadd.s32 $0x4000, s19;
	s18 =	sadd.s32 $0x2000, s18;
	s21 =	sadd.s32 $0x1, s20  }
0x40: {  	s17 =	sadd.s32 $0x1, s17;
	s22 =	sshll.u32 s20, $0xF;
	_ =	swait.ge [sflag:s21], $0x8000  }
0x41: {  	s30 =	sadd.s32 $0x3, s20;
	s24 =	sadd.s32 $0x800, s23;
	[sflag:s21] =	ssyncset.done $0x0  }
0x42: {  	s31 =	sadd.s32 $0x1800, s23;
	s26 =	sadd.s32 $0x5, s20;
	[sflag:s21] =	ssyncadd.s32 $0xFFFF8000  }
0x43: {  	[hbm4b:s23+s2] =	stream.linear.scatter [tilespmem:s22], [sflag:s30], $0x4000, $0x38;
	v63 =	vld [tilespmem:$0x0]  }
0x44: {  	s20 =	sor.u32 s6, s20;
	s28 =	sadd.s32 $0x2000, s23;
	s29 =	sadd.s32 $0x2800, s23  }
0x45: {  	[hbm4b:s24+s2] =	stream.linear.scatter [tilespmem:s22], [sflag:s30], $0x8000, $0x38;
	v63 =	vld [tilespmem:$0x0]  }
0x46: {  	p0 =	sne.s32 s19, $0x28000;
	s25 =	sor.u32 $0x4000, s22;
	s22 =	sadd.s32 s22, s4  }
0x47: {  	[hbm4b:s31+s2] =	stream.linear.scatter [tilespmem:s25], [sflag:s30], $0x4000, $0x38;
	v63 =	vld [tilespmem:$0x0]  }
0x48: {  	s20 =	sadd.s32 $0x1C07, s20;
	s22 =	sshrl.u32 s22, $0x3;
	_ =	swait.ge [sflag:s26], $0x1000  }
.Ltmp3:
0x49: {  	s30 =	sadd.s32 s25, s4;
	[sflag:s26] =	ssyncset.done $0x0;
	(pc) =	sbr.rel @!p0 .LBB2_7-.Ltmp3, $4  }
0x4a: {  	s31 =	sadd.s32 $0x3800, s23;
	s21 =	sshrl.u32 s30, $0x3;
	[sflag:s26] =	ssyncadd.s32 $0xFFFFF000  }
0x4b: {  	[hbm:s28], [sflag:s20] =	dma.local [spmem:s22], $0x800  }
0x4c: {  	[hbm:s29], [sflag:s20] =	dma.local [spmem:s22], $0x1000  }
0x4d: {  	[hbm:s31], [sflag:s20] =	dma.local [spmem:s21], $0x800  }
.LBB2_2:
0x4e: {  	s20 =	sadd.s32 $0xFFFFFFFF, s17  }
0x4f: {  	p0 =	seq.s32 s20, $0x0  }
.Ltmp4:
0x50: {  	_ = 	snop;
	(pc) =	sbr.rel @p0 .LBB2_5-.Ltmp4, $2  }
0x51: {  	_ =	sdelay $0x2  }
0x52: {  	s21 =	simm.s32 $0x1  }
0x53: {  	p0 =	seq.s32 s20, $0x9  }
.Ltmp5:
0x54: {  	_ = 	snop;
	(pc) =	sbr.rel @p0 .LBB2_6-.Ltmp5, $1  }
0x55: {  	_ =	sdelay $0x3  }
0x56: {  	s21 =	sand.u32 $0x1, s17  }
0x57: {  	s22 =	sadd.s32 $0x3, s21  }
0x58: {  	_ =	swait.ge [sflag:s22], $0x8000  }
0x59: {  	[sflag:s22] =	ssyncset.done $0x0  }
0x5a: {  	[sflag:s22] =	ssyncadd.s32 $0xFFFF8000  }
0x5b: {  	_ =	swait.ge [sflag:s22], $0x4000  }
0x5c: {  	[sflag:s22] =	ssyncset.done $0x0  }
0x5d: {  	[sflag:s22] =	ssyncadd.s32 $0xFFFFC000  }
0x5e: {  	_ =	swait.ge [sflag:s22], $0x4000  }
0x5f: {  	[sflag:s22] =	ssyncset.done $0x0  }
0x60: {  	s31 =	sadd.s32 $0x7, s21;
	[sflag:s22] =	ssyncadd.s32 $0xFFFFC000  }
0x61: {  	_ =	swait.ge [sflag:s31], $0x1000  }
0x62: {  	[sflag:s31] =	ssyncset.done $0x0  }
0x63: {  	[sflag:s31] =	ssyncadd.s32 $0xFFFFF000  }
0x64: {  	_ =	swait.ge [sflag:s31], $0x800  }
.Ltmp6:
0x65: {  	[sflag:s31] =	ssyncset.done $0x0;
	(pc) =	sbr.rel .LBB2_5-.Ltmp6, $4  }
0x66: {  	[sflag:s31] =	ssyncadd.s32 $0xFFFFF800  }
0x67: {  	_ =	swait.ge [sflag:s31], $0x800  }
0x68: {  	[sflag:s31] =	ssyncset.done $0x0  }
0x69: {  	[sflag:s31] =	ssyncadd.s32 $0xFFFFF800  }
.LBB2_8:
0x6a: {  	_ =	sfence.sel $0x180000  }
0x6b: {  	[bflag:$0x0] =	sbarrier.arrive $0xFFFF  }
0x6c: {  	p0 =	sne.s32 s1, $0x0;
	_ =	strace $0x90000047  }
0x6d: {  	s0 =	sadd.s32 @!p0 $0x100000, s0;
	[bflag:$0x2] =	sbarrier.arrive $0xFFFF  }
0x6e: {  	[sflag:s0] =	ssyncadd.tile.s32 @!p0 $0x1;
	_ =	shalt  }
.Lfunc_end2:
_tile_overlayer_lowered:
.L_overlay_start_2:
0x6f: {  	(tag) =	ssettag $0x2  }
0x70: {  	s0 =	rddreg [dreg:$0x0];
	s2 =	stileid.u32  }
0x71: {  	s1 =	rddreg [dreg:$0x1];
	p0 =	sne.s32 s2, $0x0  }
0x72: {  	s3 =	rddreg [dreg:$0x2];
	[bflag:$0x3] =	sbarrier.arrive $0xFFFF;
	s2 =	simm.s32 @!p0 $0x1C09  }
0x73: {  	[timem:s3], [sflag:s2] =	dma.local @!p0 [hbm:s0], s1  }
0x74: {  	s0 =	simm.s32 @!p0 $0x9  }
0x75: {  	_ =	swait.ge @!p0 [sflag:s0], s1  }
0x76: {  	s1 =	ssub.s32 @!p0 $0x0, s1;
	[sflag:s0] =	ssyncset.done @!p0 $0x0  }
0x77: {  	[sflag:s0] =	ssyncadd.s32 @!p0 s1  }
0x78: {  	[bflag:$0x3] =	sbarrier.arrive $0xFFFF  }
0x79: {  	_ =	shalt  }

</sc_bundles>
